<compile_context>
chip_gen: v7x
topology: tpu7x:2x2x1
jax: 0.10.2.dev20260603
libtpu: 0.0.44.dev20260713+nightly
codegen_flags: <defaults>
</compile_context>

<pallas_src>
import functools

import jax
import jax.numpy as jnp
from jax import lax
from jax.experimental import pallas as pl
from jax.experimental.pallas import tpu as pltpu
from jax.experimental.pallas import tpu_sc as plsc

_NC = 2
_NS = 16
_NW = _NC * _NS
_K = 16


@functools.lru_cache(maxsize=None)
def _build_gather(B: int, D: int):
    b_per_w = B // _NW
    n_chunks = b_per_w // _K
    mesh = plsc.VectorSubcoreMesh(core_axis_name="c", subcore_axis_name="s")

    @functools.partial(
        pl.kernel,
        mesh=mesh,
        out_type=jax.ShapeDtypeStruct((B, D), jnp.float32),
        scratch_types=[
            pltpu.VMEM((b_per_w,), jnp.int32),
            pltpu.VMEM((b_per_w, D), jnp.float32),
            pltpu.SemaphoreType.DMA,
            pltpu.SemaphoreType.DMA,
        ],
    )
    def gather(table_hbm, idx_hbm, out_hbm, idx_v, rows_v, sem0, sem1):
        wid = lax.axis_index("s") * _NC + lax.axis_index("c")
        pltpu.async_copy(idx_hbm.at[wid], idx_v, sem0).wait()

        def fire(c, sem):
            base = c * _K
            iv = idx_v[pl.ds(base, _K)]
            for j in range(_K):
                pltpu.async_copy(
                    table_hbm.at[iv[j]], rows_v.at[base + j], sem
                )

        def drain(c, sem):
            base = c * _K
            for j in range(_K):
                pltpu.make_async_copy(
                    table_hbm.at[0], rows_v.at[base + j], sem
                ).wait()

        fire(0, sem0)

        def body(i, _):
            c = 2 * i
            fire(c + 1, sem1)
            drain(c, sem0)

            @pl.when(c + 2 < n_chunks)
            def _():
                fire(c + 2, sem0)

            drain(c + 1, sem1)
            return ()

        lax.fori_loop(0, n_chunks // 2, body, (), unroll=False)
        pltpu.sync_copy(rows_v, out_hbm.at[pl.ds(wid * b_per_w, b_per_w)])

    return gather


def kernel(ordered_embs, nodes):
    V, D = ordered_embs.shape
    B = nodes.shape[0]
    idx = nodes.reshape(_NW, B // _NW)
    return _build_gather(B, D)(ordered_embs, idx)

# --- scband reference (transcript-rebuilt; emitter-appended) ---
"""Pipeline reference for scband-pretrained-graph-encoder-22849226014742 (READ-ONLY COPY).

The authoritative reference and input builder live on the scoring server;
editing this copy changes nothing except your own understanding.
"""

import jax, jax.numpy as jnp
import numpy as np

NUM_NODES = 1000000
EMBED_DIM = 64
BATCH = 16384


def setup_inputs(seed: int = 0) -> dict:
    key = jax.random.key(seed)
    k1, k2 = jax.random.split(key)
    # Frozen pretrained embedding table (vstack of sorted node->emb dict values)
    ordered_embs = jax.random.normal(k1, (NUM_NODES, EMBED_DIM), dtype=jnp.float32)
    nodes = jax.random.randint(k2, (BATCH, 1), 0, NUM_NODES, dtype=jnp.int32)
    return {"ordered_embs": ordered_embs, "nodes": nodes}


def reference(ordered_embs, nodes):
    # PretrainedGraphEncoder.forward: self.ordered_embs[nodes].squeeze(1).float()
    gathered = jnp.take(ordered_embs, nodes, axis=0)  # [B, 1, D]
    return jnp.squeeze(gathered, axis=1).astype(jnp.float32)  # [B, D]

if __name__ == "__main__":
    import jax
    _d = setup_inputs()
    print(jax.jit(kernel)(*tuple(_d.values())))

</pallas_src>

<mosaic_0001>
#map = affine_map<(d0, d1) -> (0, 0)>
module attributes {stable_mosaic.version = 14 : i64} {
  func.func @gather(%arg0: i32, %arg1: i32, %arg2: memref<1000000x64xf32, #tpu.memory_space<hbm>>, %arg3: memref<32x512xi32, #tpu.memory_space<hbm>>, %arg4: memref<16384x64xf32, #tpu.memory_space<hbm>>, %arg5: memref<512xi32, #tpu.memory_space<vmem>>, %arg6: memref<512x64xf32, #tpu.memory_space<vmem>>, %arg7: memref<!tpu.dma_semaphore, #tpu.memory_space<semaphore_mem>>, %arg8: memref<!tpu.dma_semaphore, #tpu.memory_space<semaphore_mem>>) attributes {dimension_semantics = [#tpu.dimension_semantics<core_parallel>, #tpu.dimension_semantics<subcore_parallel>], iteration_bounds = array<i64: 2, 16>, scalar_prefetch = 0 : i64, scratch_operands = 4 : i64, tpu.core_type = #tpu.core_type<sc_vector_subcore>, window_params = [{transform_indices = #map}, {transform_indices = #map}, {transform_indices = #map}]} {
    %mul3A = arith.constant 2 : i32
    %mul3A_0 = arith.muli %arg1, %mul3A : i32
    %add3A = arith.addi %mul3A_0, %arg0 : i32
    %dma_start3A = arith.constant 0 : i32
    %dma_start3A_1 = tpu.memref_slice %arg3[%add3A, %dma_start3A] : memref<32x512xi32, #tpu.memory_space<hbm>> -> memref<1x512xi32, #tpu.memory_space<hbm>>
    %dma_start3A_2 = tpu.memref_squeeze %dma_start3A_1 : memref<1x512xi32, #tpu.memory_space<hbm>> -> memref<512xi32, #tpu.memory_space<hbm>>
    %dma_start3A_3 = arith.constant 0 : i32
    %dma_start3A_4 = tpu.memref_slice %arg3[%add3A, %dma_start3A_3] : memref<32x512xi32, #tpu.memory_space<hbm>> -> memref<1x512xi32, #tpu.memory_space<hbm>>
    %dma_start3A_5 = tpu.memref_squeeze %dma_start3A_4 : memref<1x512xi32, #tpu.memory_space<hbm>> -> memref<512xi32, #tpu.memory_space<hbm>>
    tpu.enqueue_dma source(%dma_start3A_5 : memref<512xi32, #tpu.memory_space<hbm>>) target(%arg5 : memref<512xi32, #tpu.memory_space<vmem>>) target_semaphore(%arg7 : memref<!tpu.dma_semaphore, #tpu.memory_space<semaphore_mem>>)
    %dma_wait3A = arith.constant 0 : i32
    %dma_wait3A_6 = tpu.memref_slice %arg3[%add3A, %dma_wait3A] : memref<32x512xi32, #tpu.memory_space<hbm>> -> memref<1x512xi32, #tpu.memory_space<hbm>>
    %dma_wait3A_7 = tpu.memref_squeeze %dma_wait3A_6 : memref<1x512xi32, #tpu.memory_space<hbm>> -> memref<512xi32, #tpu.memory_space<hbm>>
    %dma_wait3A_8 = arith.constant 0 : i32
    %dma_wait3A_9 = tpu.memref_slice %arg3[%add3A, %dma_wait3A_8] : memref<32x512xi32, #tpu.memory_space<hbm>> -> memref<1x512xi32, #tpu.memory_space<hbm>>
    %dma_wait3A_10 = tpu.memref_squeeze %dma_wait3A_9 : memref<1x512xi32, #tpu.memory_space<hbm>> -> memref<512xi32, #tpu.memory_space<hbm>>
    tpu.wait_dma2 semaphore(%arg7 : memref<!tpu.dma_semaphore, #tpu.memory_space<semaphore_mem>>) src(%dma_wait3A_10 : memref<512xi32, #tpu.memory_space<hbm>>) dst(%arg5 : memref<512xi32, #tpu.memory_space<vmem>>)
    %get3A = arith.constant 0 : index
    %get3A_11 = tpu.vector_load %arg5[%get3A] {strides = array<i32>} : memref<512xi32, #tpu.memory_space<vmem>>, vector<16xi32>,
    %get3A_12 = vector.shape_cast %get3A_11 : vector<16xi32> to vector<16xi32>
    %slice3A = vector.extract_strided_slice %get3A_12 {offsets = [0], sizes = [1], strides = [1]} : vector<16xi32> to vector<1xi32>
    %squeeze3A = vector.extract %slice3A[0] : i32 from vector<1xi32>
    %dma_start3A_13 = arith.constant 0 : i32
    %dma_start3A_14 = arith.constant 0 : i32
    %dma_start3A_15 = tpu.memref_slice %arg6[%dma_start3A_13, %dma_start3A_14] : memref<512x64xf32, #tpu.memory_space<vmem>> -> memref<1x64xf32, #tpu.memory_space<vmem>>
    %dma_start3A_16 = tpu.memref_squeeze %dma_start3A_15 : memref<1x64xf32, #tpu.memory_space<vmem>> -> memref<64xf32, #tpu.memory_space<vmem>>
    %dma_start3A_17 = arith.constant 0 : i32
    %dma_start3A_18 = tpu.memref_slice %arg2[%squeeze3A, %dma_start3A_17] : memref<1000000x64xf32, #tpu.memory_space<hbm>> -> memref<1x64xf32, #tpu.memory_space<hbm>>
    %dma_start3A_19 = tpu.memref_squeeze %dma_start3A_18 : memref<1x64xf32, #tpu.memory_space<hbm>> -> memref<64xf32, #tpu.memory_space<hbm>>
    %dma_start3A_20 = arith.constant 0 : i32
    %dma_start3A_21 = tpu.memref_slice %arg6[%dma_start3A_13, %dma_start3A_20] : memref<512x64xf32, #tpu.memory_space<vmem>> -> memref<1x64xf32, #tpu.memory_space<vmem>>
    %dma_start3A_22 = tpu.memref_squeeze %dma_start3A_21 : memref<1x64xf32, #tpu.memory_space<vmem>> -> memref<64xf32, #tpu.memory_space<vmem>>
    %dma_start3A_23 = arith.constant 0 : i32
    %dma_start3A_24 = tpu.memref_slice %arg2[%squeeze3A, %dma_start3A_23] : memref<1000000x64xf32, #tpu.memory_space<hbm>> -> memref<1x64xf32, #tpu.memory_space<hbm>>
    %dma_start3A_25 = tpu.memref_squeeze %dma_start3A_24 : memref<1x64xf32, #tpu.memory_space<hbm>> -> memref<64xf32, #tpu.memory_space<hbm>>
    tpu.enqueue_dma source(%dma_start3A_25 : memref<64xf32, #tpu.memory_space<hbm>>) target(%dma_start3A_22 : memref<64xf32, #tpu.memory_space<vmem>>) target_semaphore(%arg7 : memref<!tpu.dma_semaphore, #tpu.memory_space<semaphore_mem>>)
    %slice3A_26 = vector.extract_strided_slice %get3A_12 {offsets = [1], sizes = [1], strides = [1]} : vector<16xi32> to vector<1xi32>
    %squeeze3A_27 = vector.extract %slice3A_26[0] : i32 from vector<1xi32>
    %dma_start3A_28 = arith.constant 1 : i32
    %dma_start3A_29 = arith.constant 0 : i32
    %dma_start3A_30 = tpu.memref_slice %arg6[%dma_start3A_28, %dma_start3A_29] : memref<512x64xf32, #tpu.memory_space<vmem>> -> memref<1x64xf32, #tpu.memory_space<vmem>>
    %dma_start3A_31 = tpu.memref_squeeze %dma_start3A_30 : memref<1x64xf32, #tpu.memory_space<vmem>> -> memref<64xf32, #tpu.memory_space<vmem>>
    %dma_start3A_32 = arith.constant 0 : i32
    %dma_start3A_33 = tpu.memref_slice %arg2[%squeeze3A_27, %dma_start3A_32] : memref<1000000x64xf32, #tpu.memory_space<hbm>> -> memref<1x64xf32, #tpu.memory_space<hbm>>
    %dma_start3A_34 = tpu.memref_squeeze %dma_start3A_33 : memref<1x64xf32, #tpu.memory_space<hbm>> -> memref<64xf32, #tpu.memory_space<hbm>>
    %dma_start3A_35 = arith.constant 0 : i32
    %dma_start3A_36 = tpu.memref_slice %arg6[%dma_start3A_28, %dma_start3A_35] : memref<512x64xf32, #tpu.memory_space<vmem>> -> memref<1x64xf32, #tpu.memory_space<vmem>>
    %dma_start3A_37 = tpu.memref_squeeze %dma_start3A_36 : memref<1x64xf32, #tpu.memory_space<vmem>> -> memref<64xf32, #tpu.memory_space<vmem>>
    %dma_start3A_38 = arith.constant 0 : i32
    %dma_start3A_39 = tpu.memref_slice %arg2[%squeeze3A_27, %dma_start3A_38] : memref<1000000x64xf32, #tpu.memory_space<hbm>> -> memref<1x64xf32, #tpu.memory_space<hbm>>
    %dma_start3A_40 = tpu.memref_squeeze %dma_start3A_39 : memref<1x64xf32, #tpu.memory_space<hbm>> -> memref<64xf32, #tpu.memory_space<hbm>>
    tpu.enqueue_dma source(%dma_start3A_40 : memref<64xf32, #tpu.memory_space<hbm>>) target(%dma_start3A_37 : memref<64xf32, #tpu.memory_space<vmem>>) target_semaphore(%arg7 : memref<!tpu.dma_semaphore, #tpu.memory_space<semaphore_mem>>)
    %slice3A_41 = vector.extract_strided_slice %get3A_12 {offsets = [2], sizes = [1], strides = [1]} : vector<16xi32> to vector<1xi32>
    %squeeze3A_42 = vector.extract %slice3A_41[0] : i32 from vector<1xi32>
    %dma_start3A_43 = arith.constant 2 : i32
    %dma_start3A_44 = arith.constant 0 : i32
    %dma_start3A_45 = tpu.memref_slice %arg6[%dma_start3A_43, %dma_start3A_44] : memref<512x64xf32, #tpu.memory_space<vmem>> -> memref<1x64xf32, #tpu.memory_space<vmem>>
    %dma_start3A_46 = tpu.memref_squeeze %dma_start3A_45 : memref<1x64xf32, #tpu.memory_space<vmem>> -> memref<64xf32, #tpu.memory_space<vmem>>
    %dma_start3A_47 = arith.constant 0 : i32
    %dma_start3A_48 = tpu.memref_slice %arg2[%squeeze3A_42, %dma_start3A_47] : memref<1000000x64xf32, #tpu.memory_space<hbm>> -> memref<1x64xf32, #tpu.memory_space<hbm>>
    %dma_start3A_49 = tpu.memref_squeeze %dma_start3A_48 : memref<1x64xf32, #tpu.memory_space<hbm>> -> memref<64xf32, #tpu.memory_space<hbm>>
    %dma_start3A_50 = arith.constant 0 : i32
    %dma_start3A_51 = tpu.memref_slice %arg6[%dma_start3A_43, %dma_start3A_50] : memref<512x64xf32, #tpu.memory_space<vmem>> -> memref<1x64xf32, #tpu.memory_space<vmem>>
    %dma_start3A_52 = tpu.memref_squeeze %dma_start3A_51 : memref<1x64xf32, #tpu.memory_space<vmem>> -> memref<64xf32, #tpu.memory_space<vmem>>
    %dma_start3A_53 = arith.constant 0 : i32
    %dma_start3A_54 = tpu.memref_slice %arg2[%squeeze3A_42, %dma_start3A_53] : memref<1000000x64xf32, #tpu.memory_space<hbm>> -> memref<1x64xf32, #tpu.memory_space<hbm>>
    %dma_start3A_55 = tpu.memref_squeeze %dma_start3A_54 : memref<1x64xf32, #tpu.memory_space<hbm>> -> memref<64xf32, #tpu.memory_space<hbm>>
    tpu.enqueue_dma source(%dma_start3A_55 : memref<64xf32, #tpu.memory_space<hbm>>) target(%dma_start3A_52 : memref<64xf32, #tpu.memory_space<vmem>>) target_semaphore(%arg7 : memref<!tpu.dma_semaphore, #tpu.memory_space<semaphore_mem>>)
    %slice3A_56 = vector.extract_strided_slice %get3A_12 {offsets = [3], sizes = [1], strides = [1]} : vector<16xi32> to vector<1xi32>
    %squeeze3A_57 = vector.extract %slice3A_56[0] : i32 from vector<1xi32>
    %dma_start3A_58 = arith.constant 3 : i32
    %dma_start3A_59 = arith.constant 0 : i32
    %dma_start3A_60 = tpu.memref_slice %arg6[%dma_start3A_58, %dma_start3A_59] : memref<512x64xf32, #tpu.memory_space<vmem>> -> memref<1x64xf32, #tpu.memory_space<vmem>>
    %dma_start3A_61 = tpu.memref_squeeze %dma_start3A_60 : memref<1x64xf32, #tpu.memory_space<vmem>> -> memref<64xf32, #tpu.memory_space<vmem>>
    %dma_start3A_62 = arith.constant 0 : i32
    %dma_start3A_63 = tpu.memref_slice %arg2[%squeeze3A_57, %dma_start3A_62] : memref<1000000x64xf32, #tpu.memory_space<hbm>> -> memref<1x64xf32, #tpu.memory_space<hbm>>
    %dma_start3A_64 = tpu.memref_squeeze %dma_start3A_63 : memref<1x64xf32, #tpu.memory_space<hbm>> -> memref<64xf32, #tpu.memory_space<hbm>>
    %dma_start3A_65 = arith.constant 0 : i32
    %dma_start3A_66 = tpu.memref_slice %arg6[%dma_start3A_58, %dma_start3A_65] : memref<512x64xf32, #tpu.memory_space<vmem>> -> memref<1x64xf32, #tpu.memory_space<vmem>>
    %dma_start3A_67 = tpu.memref_squeeze %dma_start3A_66 : memref<1x64xf32, #tpu.memory_space<vmem>> -> memref<64xf32, #tpu.memory_space<vmem>>
    %dma_start3A_68 = arith.constant 0 : i32
    %dma_start3A_69 = tpu.memref_slice %arg2[%squeeze3A_57, %dma_start3A_68] : memref<1000000x64xf32, #tpu.memory_space<hbm>> -> memref<1x64xf32, #tpu.memory_space<hbm>>
    %dma_start3A_70 = tpu.memref_squeeze %dma_start3A_69 : memref<1x64xf32, #tpu.memory_space<hbm>> -> memref<64xf32, #tpu.memory_space<hbm>>
    tpu.enqueue_dma source(%dma_start3A_70 : memref<64xf32, #tpu.memory_space<hbm>>) target(%dma_start3A_67 : memref<64xf32, #tpu.memory_space<vmem>>) target_semaphore(%arg7 : memref<!tpu.dma_semaphore, #tpu.memory_space<semaphore_mem>>)
    %slice3A_71 = vector.extract_strided_slice %get3A_12 {offsets = [4], sizes = [1], strides = [1]} : vector<16xi32> to vector<1xi32>
    %squeeze3A_72 = vector.extract %slice3A_71[0] : i32 from vector<1xi32>
    %dma_start3A_73 = arith.constant 4 : i32
    %dma_start3A_74 = arith.constant 0 : i32
    %dma_start3A_75 = tpu.memref_slice %arg6[%dma_start3A_73, %dma_start3A_74] : memref<512x64xf32, #tpu.memory_space<vmem>> -> memref<1x64xf32, #tpu.memory_space<vmem>>
    %dma_start3A_76 = tpu.memref_squeeze %dma_start3A_75 : memref<1x64xf32, #tpu.memory_space<vmem>> -> memref<64xf32, #tpu.memory_space<vmem>>
    %dma_start3A_77 = arith.constant 0 : i32
    %dma_start3A_78 = tpu.memref_slice %arg2[%squeeze3A_72, %dma_start3A_77] : memref<1000000x64xf32, #tpu.memory_space<hbm>> -> memref<1x64xf32, #tpu.memory_space<hbm>>
    %dma_start3A_79 = tpu.memref_squeeze %dma_start3A_78 : memref<1x64xf32, #tpu.memory_space<hbm>> -> memref<64xf32, #tpu.memory_space<hbm>>
    %dma_start3A_80 = arith.constant 0 : i32
    %dma_start3A_81 = tpu.memref_slice %arg6[%dma_start3A_73, %dma_start3A_80] : memref<512x64xf32, #tpu.memory_space<vmem>> -> memref<1x64xf32, #tpu.memory_space<vmem>>
    %dma_start3A_82 = tpu.memref_squeeze %dma_start3A_81 : memref<1x64xf32, #tpu.memory_space<vmem>> -> memref<64xf32, #tpu.memory_space<vmem>>
    %dma_start3A_83 = arith.constant 0 : i32
    %dma_start3A_84 = tpu.memref_slice %arg2[%squeeze3A_72, %dma_start3A_83] : memref<1000000x64xf32, #tpu.memory_space<hbm>> -> memref<1x64xf32, #tpu.memory_space<hbm>>
    %dma_start3A_85 = tpu.memref_squeeze %dma_start3A_84 : memref<1x64xf32, #tpu.memory_space<hbm>> -> memref<64xf32, #tpu.memory_space<hbm>>
    tpu.enqueue_dma source(%dma_start3A_85 : memref<64xf32, #tpu.memory_space<hbm>>) target(%dma_start3A_82 : memref<64xf32, #tpu.memory_space<vmem>>) target_semaphore(%arg7 : memref<!tpu.dma_semaphore, #tpu.memory_space<semaphore_mem>>)
    %slice3A_86 = vector.extract_strided_slice %get3A_12 {offsets = [5], sizes = [1], strides = [1]} : vector<16xi32> to vector<1xi32>
    %squeeze3A_87 = vector.extract %slice3A_86[0] : i32 from vector<1xi32>
    %dma_start3A_88 = arith.constant 5 : i32
    %dma_start3A_89 = arith.constant 0 : i32
    %dma_start3A_90 = tpu.memref_slice %arg6[%dma_start3A_88, %dma_start3A_89] : memref<512x64xf32, #tpu.memory_space<vmem>> -> memref<1x64xf32, #tpu.memory_space<vmem>>
    %dma_start3A_91 = tpu.memref_squeeze %dma_start3A_90 : memref<1x64xf32, #tpu.memory_space<vmem>> -> memref<64xf32, #tpu.memory_space<vmem>>
    %dma_start3A_92 = arith.constant 0 : i32
    %dma_start3A_93 = tpu.memref_slice %arg2[%squeeze3A_87, %dma_start3A_92] : memref<1000000x64xf32, #tpu.memory_space<hbm>> -> memref<1x64xf32, #tpu.memory_space<hbm>>
    %dma_start3A_94 = tpu.memref_squeeze %dma_start3A_93 : memref<1x64xf32, #tpu.memory_space<hbm>> -> memref<64xf32, #tpu.memory_space<hbm>>
    %dma_start3A_95 = arith.constant 0 : i32
    %dma_start3A_96 = tpu.memref_slice %arg6[%dma_start3A_88, %dma_start3A_95] : memref<512x64xf32, #tpu.memory_space<vmem>> -> memref<1x64xf32, #tpu.memory_space<vmem>>
    %dma_start3A_97 = tpu.memref_squeeze %dma_start3A_96 : memref<1x64xf32, #tpu.memory_space<vmem>> -> memref<64xf32, #tpu.memory_space<vmem>>
    %dma_start3A_98 = arith.constant 0 : i32
    %dma_start3A_99 = tpu.memref_slice %arg2[%squeeze3A_87, %dma_start3A_98] : memref<1000000x64xf32, #tpu.memory_space<hbm>> -> memref<1x64xf32, #tpu.memory_space<hbm>>
    %dma_start3A_100 = tpu.memref_squeeze %dma_start3A_99 : memref<1x64xf32, #tpu.memory_space<hbm>> -> memref<64xf32, #tpu.memory_space<hbm>>
    tpu.enqueue_dma source(%dma_start3A_100 : memref<64xf32, #tpu.memory_space<hbm>>) target(%dma_start3A_97 : memref<64xf32, #tpu.memory_space<vmem>>) target_semaphore(%arg7 : memref<!tpu.dma_semaphore, #tpu.memory_space<semaphore_mem>>)
    %slice3A_101 = vector.extract_strided_slice %get3A_12 {offsets = [6], sizes = [1], strides = [1]} : vector<16xi32> to vector<1xi32>
    %squeeze3A_102 = vector.extract %slice3A_101[0] : i32 from vector<1xi32>
    %dma_start3A_103 = arith.constant 6 : i32
    %dma_start3A_104 = arith.constant 0 : i32
    %dma_start3A_105 = tpu.memref_slice %arg6[%dma_start3A_103, %dma_start3A_104] : memref<512x64xf32, #tpu.memory_space<vmem>> -> memref<1x64xf32, #tpu.memory_space<vmem>>
    %dma_start3A_106 = tpu.memref_squeeze %dma_start3A_105 : memref<1x64xf32, #tpu.memory_space<vmem>> -> memref<64xf32, #tpu.memory_space<vmem>>
    %dma_start3A_107 = arith.constant 0 : i32
    %dma_start3A_108 = tpu.memref_slice %arg2[%squeeze3A_102, %dma_start3A_107] : memref<1000000x64xf32, #tpu.memory_space<hbm>> -> memref<1x64xf32, #tpu.memory_space<hbm>>
    %dma_start3A_109 = tpu.memref_squeeze %dma_start3A_108 : memref<1x64xf32, #tpu.memory_space<hbm>> -> memref<64xf32, #tpu.memory_space<hbm>>
    %dma_start3A_110 = arith.constant 0 : i32
    %dma_start3A_111 = tpu.memref_slice %arg6[%dma_start3A_103, %dma_start3A_110] : memref<512x64xf32, #tpu.memory_space<vmem>> -> memref<1x64xf32, #tpu.memory_space<vmem>>
    %dma_start3A_112 = tpu.memref_squeeze %dma_start3A_111 : memref<1x64xf32, #tpu.memory_space<vmem>> -> memref<64xf32, #tpu.memory_space<vmem>>
    %dma_start3A_113 = arith.constant 0 : i32
    %dma_start3A_114 = tpu.memref_slice %arg2[%squeeze3A_102, %dma_start3A_113] : memref<1000000x64xf32, #tpu.memory_space<hbm>> -> memref<1x64xf32, #tpu.memory_space<hbm>>
    %dma_start3A_115 = tpu.memref_squeeze %dma_start3A_114 : memref<1x64xf32, #tpu.memory_space<hbm>> -> memref<64xf32, #tpu.memory_space<hbm>>
    tpu.enqueue_dma source(%dma_start3A_115 : memref<64xf32, #tpu.memory_space<hbm>>) target(%dma_start3A_112 : memref<64xf32, #tpu.memory_space<vmem>>) target_semaphore(%arg7 : memref<!tpu.dma_semaphore, #tpu.memory_space<semaphore_mem>>)
    %slice3A_116 = vector.extract_strided_slice %get3A_12 {offsets = [7], sizes = [1], strides = [1]} : vector<16xi32> to vector<1xi32>
    %squeeze3A_117 = vector.extract %slice3A_116[0] : i32 from vector<1xi32>
    %dma_start3A_118 = arith.constant 7 : i32
    %dma_start3A_119 = arith.constant 0 : i32
    %dma_start3A_120 = tpu.memref_slice %arg6[%dma_start3A_118, %dma_start3A_119] : memref<512x64xf32, #tpu.memory_space<vmem>> -> memref<1x64xf32, #tpu.memory_space<vmem>>
    %dma_start3A_121 = tpu.memref_squeeze %dma_start3A_120 : memref<1x64xf32, #tpu.memory_space<vmem>> -> memref<64xf32, #tpu.memory_space<vmem>>
    %dma_start3A_122 = arith.constant 0 : i32
    %dma_start3A_123 = tpu.memref_slice %arg2[%squeeze3A_117, %dma_start3A_122] : memref<1000000x64xf32, #tpu.memory_space<hbm>> -> memref<1x64xf32, #tpu.memory_space<hbm>>
    %dma_start3A_124 = tpu.memref_squeeze %dma_start3A_123 : memref<1x64xf32, #tpu.memory_space<hbm>> -> memref<64xf32, #tpu.memory_space<hbm>>
    %dma_start3A_125 = arith.constant 0 : i32
    %dma_start3A_126 = tpu.memref_slice %arg6[%dma_start3A_118, %dma_start3A_125] : memref<512x64xf32, #tpu.memory_space<vmem>> -> memref<1x64xf32, #tpu.memory_space<vmem>>
    %dma_start3A_127 = tpu.memref_squeeze %dma_start3A_126 : memref<1x64xf32, #tpu.memory_space<vmem>> -> memref<64xf32, #tpu.memory_space<vmem>>
    %dma_start3A_128 = arith.constant 0 : i32
    %dma_start3A_129 = tpu.memref_slice %arg2[%squeeze3A_117, %dma_start3A_128] : memref<1000000x64xf32, #tpu.memory_space<hbm>> -> memref<1x64xf32, #tpu.memory_space<hbm>>
    %dma_start3A_130 = tpu.memref_squeeze %dma_start3A_129 : memref<1x64xf32, #tpu.memory_space<hbm>> -> memref<64xf32, #tpu.memory_space<hbm>>
    tpu.enqueue_dma source(%dma_start3A_130 : memref<64xf32, #tpu.memory_space<hbm>>) target(%dma_start3A_127 : memref<64xf32, #tpu.memory_space<vmem>>) target_semaphore(%arg7 : memref<!tpu.dma_semaphore, #tpu.memory_space<semaphore_mem>>)
    %slice3A_131 = vector.extract_strided_slice %get3A_12 {offsets = [8], sizes = [1], strides = [1]} : vector<16xi32> to vector<1xi32>
    %squeeze3A_132 = vector.extract %slice3A_131[0] : i32 from vector<1xi32>
    %dma_start3A_133 = arith.constant 8 : i32
    %dma_start3A_134 = arith.constant 0 : i32
    %dma_start3A_135 = tpu.memref_slice %arg6[%dma_start3A_133, %dma_start3A_134] : memref<512x64xf32, #tpu.memory_space<vmem>> -> memref<1x64xf32, #tpu.memory_space<vmem>>
    %dma_start3A_136 = tpu.memref_squeeze %dma_start3A_135 : memref<1x64xf32, #tpu.memory_space<vmem>> -> memref<64xf32, #tpu.memory_space<vmem>>
    %dma_start3A_137 = arith.constant 0 : i32
    %dma_start3A_138 = tpu.memref_slice %arg2[%squeeze3A_132, %dma_start3A_137] : memref<1000000x64xf32, #tpu.memory_space<hbm>> -> memref<1x64xf32, #tpu.memory_space<hbm>>
    %dma_start3A_139 = tpu.memref_squeeze %dma_start3A_138 : memref<1x64xf32, #tpu.memory_space<hbm>> -> memref<64xf32, #tpu.memory_space<hbm>>
    %dma_start3A_140 = arith.constant 0 : i32
    %dma_start3A_141 = tpu.memref_slice %arg6[%dma_start3A_133, %dma_start3A_140] : memref<512x64xf32, #tpu.memory_space<vmem>> -> memref<1x64xf32, #tpu.memory_space<vmem>>
    %dma_start3A_142 = tpu.memref_squeeze %dma_start3A_141 : memref<1x64xf32, #tpu.memory_space<vmem>> -> memref<64xf32, #tpu.memory_space<vmem>>
    %dma_start3A_143 = arith.constant 0 : i32
    %dma_start3A_144 = tpu.memref_slice %arg2[%squeeze3A_132, %dma_start3A_143] : memref<1000000x64xf32, #tpu.memory_space<hbm>> -> memref<1x64xf32, #tpu.memory_space<hbm>>
    %dma_start3A_145 = tpu.memref_squeeze %dma_start3A_144 : memref<1x64xf32, #tpu.memory_space<hbm>> -> memref<64xf32, #tpu.memory_space<hbm>>
    tpu.enqueue_dma source(%dma_start3A_145 : memref<64xf32, #tpu.memory_space<hbm>>) target(%dma_start3A_142 : memref<64xf32, #tpu.memory_space<vmem>>) target_semaphore(%arg7 : memref<!tpu.dma_semaphore, #tpu.memory_space<semaphore_mem>>)
    %slice3A_146 = vector.extract_strided_slice %get3A_12 {offsets = [9], sizes = [1], strides = [1]} : vector<16xi32> to vector<1xi32>
    %squeeze3A_147 = vector.extract %slice3A_146[0] : i32 from vector<1xi32>
    %dma_start3A_148 = arith.constant 9 : i32
    %dma_start3A_149 = arith.constant 0 : i32
    %dma_start3A_150 = tpu.memref_slice %arg6[%dma_start3A_148, %dma_start3A_149] : memref<512x64xf32, #tpu.memory_space<vmem>> -> memref<1x64xf32, #tpu.memory_space<vmem>>
    %dma_start3A_151 = tpu.memref_squeeze %dma_start3A_150 : memref<1x64xf32, #tpu.memory_space<vmem>> -> memref<64xf32, #tpu.memory_space<vmem>>
    %dma_start3A_152 = arith.constant 0 : i32
    %dma_start3A_153 = tpu.memref_slice %arg2[%squeeze3A_147, %dma_start3A_152] : memref<1000000x64xf32, #tpu.memory_space<hbm>> -> memref<1x64xf32, #tpu.memory_space<hbm>>
    %dma_start3A_154 = tpu.memref_squeeze %dma_start3A_153 : memref<1x64xf32, #tpu.memory_space<hbm>> -> memref<64xf32, #tpu.memory_space<hbm>>
    %dma_start3A_155 = arith.constant 0 : i32
    %dma_start3A_156 = tpu.memref_slice %arg6[%dma_start3A_148, %dma_start3A_155] : memref<512x64xf32, #tpu.memory_space<vmem>> -> memref<1x64xf32, #tpu.memory_space<vmem>>
    %dma_start3A_157 = tpu.memref_squeeze %dma_start3A_156 : memref<1x64xf32, #tpu.memory_space<vmem>> -> memref<64xf32, #tpu.memory_space<vmem>>
    %dma_start3A_158 = arith.constant 0 : i32
    %dma_start3A_159 = tpu.memref_slice %arg2[%squeeze3A_147, %dma_start3A_158] : memref<1000000x64xf32, #tpu.memory_space<hbm>> -> memref<1x64xf32, #tpu.memory_space<hbm>>
    %dma_start3A_160 = tpu.memref_squeeze %dma_start3A_159 : memref<1x64xf32, #tpu.memory_space<hbm>> -> memref<64xf32, #tpu.memory_space<hbm>>
    tpu.enqueue_dma source(%dma_start3A_160 : memref<64xf32, #tpu.memory_space<hbm>>) target(%dma_start3A_157 : memref<64xf32, #tpu.memory_space<vmem>>) target_semaphore(%arg7 : memref<!tpu.dma_semaphore, #tpu.memory_space<semaphore_mem>>)
    %slice3A_161 = vector.extract_strided_slice %get3A_12 {offsets = [10], sizes = [1], strides = [1]} : vector<16xi32> to vector<1xi32>
    %squeeze3A_162 = vector.extract %slice3A_161[0] : i32 from vector<1xi32>
    %dma_start3A_163 = arith.constant 10 : i32
    %dma_start3A_164 = arith.constant 0 : i32
    %dma_start3A_165 = tpu.memref_slice %arg6[%dma_start3A_163, %dma_start3A_164] : memref<512x64xf32, #tpu.memory_space<vmem>> -> memref<1x64xf32, #tpu.memory_space<vmem>>
    %dma_start3A_166 = tpu.memref_squeeze %dma_start3A_165 : memref<1x64xf32, #tpu.memory_space<vmem>> -> memref<64xf32, #tpu.memory_space<vmem>>
    %dma_start3A_167 = arith.constant 0 : i32
    %dma_start3A_168 = tpu.memref_slice %arg2[%squeeze3A_162, %dma_start3A_167] : memref<1000000x64xf32, #tpu.memory_space<hbm>> -> memref<1x64xf32, #tpu.memory_space<hbm>>
    %dma_start3A_169 = tpu.memref_squeeze %dma_start3A_168 : memref<1x64xf32, #tpu.memory_space<hbm>> -> memref<64xf32, #tpu.memory_space<hbm>>
    %dma_start3A_170 = arith.constant 0 : i32
    %dma_start3A_171 = tpu.memref_slice %arg6[%dma_start3A_163, %dma_start3A_170] : memref<512x64xf32, #tpu.memory_space<vmem>> -> memref<1x64xf32, #tpu.memory_space<vmem>>
    %dma_start3A_172 = tpu.memref_squeeze %dma_start3A_171 : memref<1x64xf32, #tpu.memory_space<vmem>> -> memref<64xf32, #tpu.memory_space<vmem>>
    %dma_start3A_173 = arith.constant 0 : i32
    %dma_start3A_174 = tpu.memref_slice %arg2[%squeeze3A_162, %dma_start3A_173] : memref<1000000x64xf32, #tpu.memory_space<hbm>> -> memref<1x64xf32, #tpu.memory_space<hbm>>
    %dma_start3A_175 = tpu.memref_squeeze %dma_start3A_174 : memref<1x64xf32, #tpu.memory_space<hbm>> -> memref<64xf32, #tpu.memory_space<hbm>>
    tpu.enqueue_dma source(%dma_start3A_175 : memref<64xf32, #tpu.memory_space<hbm>>) target(%dma_start3A_172 : memref<64xf32, #tpu.memory_space<vmem>>) target_semaphore(%arg7 : memref<!tpu.dma_semaphore, #tpu.memory_space<semaphore_mem>>)
    %slice3A_176 = vector.extract_strided_slice %get3A_12 {offsets = [11], sizes = [1], strides = [1]} : vector<16xi32> to vector<1xi32>
    %squeeze3A_177 = vector.extract %slice3A_176[0] : i32 from vector<1xi32>
    %dma_start3A_178 = arith.constant 11 : i32
    %dma_start3A_179 = arith.constant 0 : i32
    %dma_start3A_180 = tpu.memref_slice %arg6[%dma_start3A_178, %dma_start3A_179] : memref<512x64xf32, #tpu.memory_space<vmem>> -> memref<1x64xf32, #tpu.memory_space<vmem>>
    %dma_start3A_181 = tpu.memref_squeeze %dma_start3A_180 : memref<1x64xf32, #tpu.memory_space<vmem>> -> memref<64xf32, #tpu.memory_space<vmem>>
    %dma_start3A_182 = arith.constant 0 : i32
    %dma_start3A_183 = tpu.memref_slice %arg2[%squeeze3A_177, %dma_start3A_182] : memref<1000000x64xf32, #tpu.memory_space<hbm>> -> memref<1x64xf32, #tpu.memory_space<hbm>>
    %dma_start3A_184 = tpu.memref_squeeze %dma_start3A_183 : memref<1x64xf32, #tpu.memory_space<hbm>> -> memref<64xf32, #tpu.memory_space<hbm>>
    %dma_start3A_185 = arith.constant 0 : i32
    %dma_start3A_186 = tpu.memref_slice %arg6[%dma_start3A_178, %dma_start3A_185] : memref<512x64xf32, #tpu.memory_space<vmem>> -> memref<1x64xf32, #tpu.memory_space<vmem>>
    %dma_start3A_187 = tpu.memref_squeeze %dma_start3A_186 : memref<1x64xf32, #tpu.memory_space<vmem>> -> memref<64xf32, #tpu.memory_space<vmem>>
    %dma_start3A_188 = arith.constant 0 : i32
    %dma_start3A_189 = tpu.memref_slice %arg2[%squeeze3A_177, %dma_start3A_188] : memref<1000000x64xf32, #tpu.memory_space<hbm>> -> memref<1x64xf32, #tpu.memory_space<hbm>>
    %dma_start3A_190 = tpu.memref_squeeze %dma_start3A_189 : memref<1x64xf32, #tpu.memory_space<hbm>> -> memref<64xf32, #tpu.memory_space<hbm>>
    tpu.enqueue_dma source(%dma_start3A_190 : memref<64xf32, #tpu.memory_space<hbm>>) target(%dma_start3A_187 : memref<64xf32, #tpu.memory_space<vmem>>) target_semaphore(%arg7 : memref<!tpu.dma_semaphore, #tpu.memory_space<semaphore_mem>>)
    %slice3A_191 = vector.extract_strided_slice %get3A_12 {offsets = [12], sizes = [1], strides = [1]} : vector<16xi32> to vector<1xi32>
    %squeeze3A_192 = vector.extract %slice3A_191[0] : i32 from vector<1xi32>
    %dma_start3A_193 = arith.constant 12 : i32
    %dma_start3A_194 = arith.constant 0 : i32
    %dma_start3A_195 = tpu.memref_slice %arg6[%dma_start3A_193, %dma_start3A_194] : memref<512x64xf32, #tpu.memory_space<vmem>> -> memref<1x64xf32, #tpu.memory_space<vmem>>
    %dma_start3A_196 = tpu.memref_squeeze %dma_start3A_195 : memref<1x64xf32, #tpu.memory_space<vmem>> -> memref<64xf32, #tpu.memory_space<vmem>>
    %dma_start3A_197 = arith.constant 0 : i32
    %dma_start3A_198 = tpu.memref_slice %arg2[%squeeze3A_192, %dma_start3A_197] : memref<1000000x64xf32, #tpu.memory_space<hbm>> -> memref<1x64xf32, #tpu.memory_space<hbm>>
    %dma_start3A_199 = tpu.memref_squeeze %dma_start3A_198 : memref<1x64xf32, #tpu.memory_space<hbm>> -> memref<64xf32, #tpu.memory_space<hbm>>
    %dma_start3A_200 = arith.constant 0 : i32
    %dma_start3A_201 = tpu.memref_slice %arg6[%dma_start3A_193, %dma_start3A_200] : memref<512x64xf32, #tpu.memory_space<vmem>> -> memref<1x64xf32, #tpu.memory_space<vmem>>
    %dma_start3A_202 = tpu.memref_squeeze %dma_start3A_201 : memref<1x64xf32, #tpu.memory_space<vmem>> -> memref<64xf32, #tpu.memory_space<vmem>>
    %dma_start3A_203 = arith.constant 0 : i32
    %dma_start3A_204 = tpu.memref_slice %arg2[%squeeze3A_192, %dma_start3A_203] : memref<1000000x64xf32, #tpu.memory_space<hbm>> -> memref<1x64xf32, #tpu.memory_space<hbm>>
    %dma_start3A_205 = tpu.memref_squeeze %dma_start3A_204 : memref<1x64xf32, #tpu.memory_space<hbm>> -> memref<64xf32, #tpu.memory_space<hbm>>
    tpu.enqueue_dma source(%dma_start3A_205 : memref<64xf32, #tpu.memory_space<hbm>>) target(%dma_start3A_202 : memref<64xf32, #tpu.memory_space<vmem>>) target_semaphore(%arg7 : memref<!tpu.dma_semaphore, #tpu.memory_space<semaphore_mem>>)
    %slice3A_206 = vector.extract_strided_slice %get3A_12 {offsets = [13], sizes = [1], strides = [1]} : vector<16xi32> to vector<1xi32>
    %squeeze3A_207 = vector.extract %slice3A_206[0] : i32 from vector<1xi32>
    %dma_start3A_208 = arith.constant 13 : i32
    %dma_start3A_209 = arith.constant 0 : i32
    %dma_start3A_210 = tpu.memref_slice %arg6[%dma_start3A_208, %dma_start3A_209] : memref<512x64xf32, #tpu.memory_space<vmem>> -> memref<1x64xf32, #tpu.memory_space<vmem>>
    %dma_start3A_211 = tpu.memref_squeeze %dma_start3A_210 : memref<1x64xf32, #tpu.memory_space<vmem>> -> memref<64xf32, #tpu.memory_space<vmem>>
    %dma_start3A_212 = arith.constant 0 : i32
    %dma_start3A_213 = tpu.memref_slice %arg2[%squeeze3A_207, %dma_start3A_212] : memref<1000000x64xf32, #tpu.memory_space<hbm>> -> memref<1x64xf32, #tpu.memory_space<hbm>>
    %dma_start3A_214 = tpu.memref_squeeze %dma_start3A_213 : memref<1x64xf32, #tpu.memory_space<hbm>> -> memref<64xf32, #tpu.memory_space<hbm>>
    %dma_start3A_215 = arith.constant 0 : i32
    %dma_start3A_216 = tpu.memref_slice %arg6[%dma_start3A_208, %dma_start3A_215] : memref<512x64xf32, #tpu.memory_space<vmem>> -> memref<1x64xf32, #tpu.memory_space<vmem>>
    %dma_start3A_217 = tpu.memref_squeeze %dma_start3A_216 : memref<1x64xf32, #tpu.memory_space<vmem>> -> memref<64xf32, #tpu.memory_space<vmem>>
    %dma_start3A_218 = arith.constant 0 : i32
    %dma_start3A_219 = tpu.memref_slice %arg2[%squeeze3A_207, %dma_start3A_218] : memref<1000000x64xf32, #tpu.memory_space<hbm>> -> memref<1x64xf32, #tpu.memory_space<hbm>>
    %dma_start3A_220 = tpu.memref_squeeze %dma_start3A_219 : memref<1x64xf32, #tpu.memory_space<hbm>> -> memref<64xf32, #tpu.memory_space<hbm>>
    tpu.enqueue_dma source(%dma_start3A_220 : memref<64xf32, #tpu.memory_space<hbm>>) target(%dma_start3A_217 : memref<64xf32, #tpu.memory_space<vmem>>) target_semaphore(%arg7 : memref<!tpu.dma_semaphore, #tpu.memory_space<semaphore_mem>>)
    %slice3A_221 = vector.extract_strided_slice %get3A_12 {offsets = [14], sizes = [1], strides = [1]} : vector<16xi32> to vector<1xi32>
    %squeeze3A_222 = vector.extract %slice3A_221[0] : i32 from vector<1xi32>
    %dma_start3A_223 = arith.constant 14 : i32
    %dma_start3A_224 = arith.constant 0 : i32
    %dma_start3A_225 = tpu.memref_slice %arg6[%dma_start3A_223, %dma_start3A_224] : memref<512x64xf32, #tpu.memory_space<vmem>> -> memref<1x64xf32, #tpu.memory_space<vmem>>
    %dma_start3A_226 = tpu.memref_squeeze %dma_start3A_225 : memref<1x64xf32, #tpu.memory_space<vmem>> -> memref<64xf32, #tpu.memory_space<vmem>>
    %dma_start3A_227 = arith.constant 0 : i32
    %dma_start3A_228 = tpu.memref_slice %arg2[%squeeze3A_222, %dma_start3A_227] : memref<1000000x64xf32, #tpu.memory_space<hbm>> -> memref<1x64xf32, #tpu.memory_space<hbm>>
    %dma_start3A_229 = tpu.memref_squeeze %dma_start3A_228 : memref<1x64xf32, #tpu.memory_space<hbm>> -> memref<64xf32, #tpu.memory_space<hbm>>
    %dma_start3A_230 = arith.constant 0 : i32
    %dma_start3A_231 = tpu.memref_slice %arg6[%dma_start3A_223, %dma_start3A_230] : memref<512x64xf32, #tpu.memory_space<vmem>> -> memref<1x64xf32, #tpu.memory_space<vmem>>
    %dma_start3A_232 = tpu.memref_squeeze %dma_start3A_231 : memref<1x64xf32, #tpu.memory_space<vmem>> -> memref<64xf32, #tpu.memory_space<vmem>>
    %dma_start3A_233 = arith.constant 0 : i32
    %dma_start3A_234 = tpu.memref_slice %arg2[%squeeze3A_222, %dma_start3A_233] : memref<1000000x64xf32, #tpu.memory_space<hbm>> -> memref<1x64xf32, #tpu.memory_space<hbm>>
    %dma_start3A_235 = tpu.memref_squeeze %dma_start3A_234 : memref<1x64xf32, #tpu.memory_space<hbm>> -> memref<64xf32, #tpu.memory_space<hbm>>
    tpu.enqueue_dma source(%dma_start3A_235 : memref<64xf32, #tpu.memory_space<hbm>>) target(%dma_start3A_232 : memref<64xf32, #tpu.memory_space<vmem>>) target_semaphore(%arg7 : memref<!tpu.dma_semaphore, #tpu.memory_space<semaphore_mem>>)
    %slice3A_236 = vector.extract_strided_slice %get3A_12 {offsets = [15], sizes = [1], strides = [1]} : vector<16xi32> to vector<1xi32>
    %squeeze3A_237 = vector.extract %slice3A_236[0] : i32 from vector<1xi32>
    %dma_start3A_238 = arith.constant 15 : i32
    %dma_start3A_239 = arith.constant 0 : i32
    %dma_start3A_240 = tpu.memref_slice %arg6[%dma_start3A_238, %dma_start3A_239] : memref<512x64xf32, #tpu.memory_space<vmem>> -> memref<1x64xf32, #tpu.memory_space<vmem>>
    %dma_start3A_241 = tpu.memref_squeeze %dma_start3A_240 : memref<1x64xf32, #tpu.memory_space<vmem>> -> memref<64xf32, #tpu.memory_space<vmem>>
    %dma_start3A_242 = arith.constant 0 : i32
    %dma_start3A_243 = tpu.memref_slice %arg2[%squeeze3A_237, %dma_start3A_242] : memref<1000000x64xf32, #tpu.memory_space<hbm>> -> memref<1x64xf32, #tpu.memory_space<hbm>>
    %dma_start3A_244 = tpu.memref_squeeze %dma_start3A_243 : memref<1x64xf32, #tpu.memory_space<hbm>> -> memref<64xf32, #tpu.memory_space<hbm>>
    %dma_start3A_245 = arith.constant 0 : i32
    %dma_start3A_246 = tpu.memref_slice %arg6[%dma_start3A_238, %dma_start3A_245] : memref<512x64xf32, #tpu.memory_space<vmem>> -> memref<1x64xf32, #tpu.memory_space<vmem>>
    %dma_start3A_247 = tpu.memref_squeeze %dma_start3A_246 : memref<1x64xf32, #tpu.memory_space<vmem>> -> memref<64xf32, #tpu.memory_space<vmem>>
    %dma_start3A_248 = arith.constant 0 : i32
    %dma_start3A_249 = tpu.memref_slice %arg2[%squeeze3A_237, %dma_start3A_248] : memref<1000000x64xf32, #tpu.memory_space<hbm>> -> memref<1x64xf32, #tpu.memory_space<hbm>>
    %dma_start3A_250 = tpu.memref_squeeze %dma_start3A_249 : memref<1x64xf32, #tpu.memory_space<hbm>> -> memref<64xf32, #tpu.memory_space<hbm>>
    tpu.enqueue_dma source(%dma_start3A_250 : memref<64xf32, #tpu.memory_space<hbm>>) target(%dma_start3A_247 : memref<64xf32, #tpu.memory_space<vmem>>) target_semaphore(%arg7 : memref<!tpu.dma_semaphore, #tpu.memory_space<semaphore_mem>>)
    %scan3A = arith.constant 0 : i32
    %scan3A_251 = arith.constant 16 : i32
    %scan3A_252 = arith.addi %scan3A, %scan3A_251 : i32
    %scan3A_253 = arith.constant 1 : i32
    scf.for %scan3A_257 = %scan3A to %scan3A_252 step %scan3A_253  : i32 {
      %mul3A_258 = arith.constant 2 : i32
      %mul3A_259 = arith.muli %mul3A_258, %scan3A_257 : i32
      %add3A_260 = arith.constant 1 : i32
      %add3A_261 = arith.addi %mul3A_259, %add3A_260 : i32
      %mul3A_262 = arith.constant 16 : i32
      %mul3A_263 = arith.muli %add3A_261, %mul3A_262 : i32
      %get3A_264 = arith.index_cast %mul3A_263 : i32 to index
      %get3A_265 = tpu.vector_load %arg5[%get3A_264] {strides = array<i32>} : memref<512xi32, #tpu.memory_space<vmem>>, vector<16xi32>,
      %get3A_266 = vector.shape_cast %get3A_265 : vector<16xi32> to vector<16xi32>
      %slice3A_267 = vector.extract_strided_slice %get3A_266 {offsets = [0], sizes = [1], strides = [1]} : vector<16xi32> to vector<1xi32>
      %squeeze3A_268 = vector.extract %slice3A_267[0] : i32 from vector<1xi32>
      %add3A_269 = arith.constant 0 : i32
      %add3A_270 = arith.addi %mul3A_263, %add3A_269 : i32
      %dma_start3A_271 = arith.constant 0 : i32
      %dma_start3A_272 = tpu.memref_slice %arg6[%add3A_270, %dma_start3A_271] : memref<512x64xf32, #tpu.memory_space<vmem>> -> memref<1x64xf32, #tpu.memory_space<vmem>>
      %dma_start3A_273 = tpu.memref_squeeze %dma_start3A_272 : memref<1x64xf32, #tpu.memory_space<vmem>> -> memref<64xf32, #tpu.memory_space<vmem>>
      %dma_start3A_274 = arith.constant 0 : i32
      %dma_start3A_275 = tpu.memref_slice %arg2[%squeeze3A_268, %dma_start3A_274] : memref<1000000x64xf32, #tpu.memory_space<hbm>> -> memref<1x64xf32, #tpu.memory_space<hbm>>
      %dma_start3A_276 = tpu.memref_squeeze %dma_start3A_275 : memref<1x64xf32, #tpu.memory_space<hbm>> -> memref<64xf32, #tpu.memory_space<hbm>>
      %dma_start3A_277 = arith.constant 0 : i32
      %dma_start3A_278 = tpu.memref_slice %arg6[%add3A_270, %dma_start3A_277] : memref<512x64xf32, #tpu.memory_space<vmem>> -> memref<1x64xf32, #tpu.memory_space<vmem>>
      %dma_start3A_279 = tpu.memref_squeeze %dma_start3A_278 : memref<1x64xf32, #tpu.memory_space<vmem>> -> memref<64xf32, #tpu.memory_space<vmem>>
      %dma_start3A_280 = arith.constant 0 : i32
      %dma_start3A_281 = tpu.memref_slice %arg2[%squeeze3A_268, %dma_start3A_280] : memref<1000000x64xf32, #tpu.memory_space<hbm>> -> memref<1x64xf32, #tpu.memory_space<hbm>>
      %dma_start3A_282 = tpu.memref_squeeze %dma_start3A_281 : memref<1x64xf32, #tpu.memory_space<hbm>> -> memref<64xf32, #tpu.memory_space<hbm>>
      tpu.enqueue_dma source(%dma_start3A_282 : memref<64xf32, #tpu.memory_space<hbm>>) target(%dma_start3A_279 : memref<64xf32, #tpu.memory_space<vmem>>) target_semaphore(%arg8 : memref<!tpu.dma_semaphore, #tpu.memory_space<semaphore_mem>>)
      %slice3A_283 = vector.extract_strided_slice %get3A_266 {offsets = [1], sizes = [1], strides = [1]} : vector<16xi32> to vector<1xi32>
      %squeeze3A_284 = vector.extract %slice3A_283[0] : i32 from vector<1xi32>
      %add3A_285 = arith.constant 1 : i32
      %add3A_286 = arith.addi %mul3A_263, %add3A_285 : i32
      %dma_start3A_287 = arith.constant 0 : i32
      %dma_start3A_288 = tpu.memref_slice %arg6[%add3A_286, %dma_start3A_287] : memref<512x64xf32, #tpu.memory_space<vmem>> -> memref<1x64xf32, #tpu.memory_space<vmem>>
      %dma_start3A_289 = tpu.memref_squeeze %dma_start3A_288 : memref<1x64xf32, #tpu.memory_space<vmem>> -> memref<64xf32, #tpu.memory_space<vmem>>
      %dma_start3A_290 = arith.constant 0 : i32
      %dma_start3A_291 = tpu.memref_slice %arg2[%squeeze3A_284, %dma_start3A_290] : memref<1000000x64xf32, #tpu.memory_space<hbm>> -> memref<1x64xf32, #tpu.memory_space<hbm>>
      %dma_start3A_292 = tpu.memref_squeeze %dma_start3A_291 : memref<1x64xf32, #tpu.memory_space<hbm>> -> memref<64xf32, #tpu.memory_space<hbm>>
      %dma_start3A_293 = arith.constant 0 : i32
      %dma_start3A_294 = tpu.memref_slice %arg6[%add3A_286, %dma_start3A_293] : memref<512x64xf32, #tpu.memory_space<vmem>> -> memref<1x64xf32, #tpu.memory_space<vmem>>
      %dma_start3A_295 = tpu.memref_squeeze %dma_start3A_294 : memref<1x64xf32, #tpu.memory_space<vmem>> -> memref<64xf32, #tpu.memory_space<vmem>>
      %dma_start3A_296 = arith.constant 0 : i32
      %dma_start3A_297 = tpu.memref_slice %arg2[%squeeze3A_284, %dma_start3A_296] : memref<1000000x64xf32, #tpu.memory_space<hbm>> -> memref<1x64xf32, #tpu.memory_space<hbm>>
      %dma_start3A_298 = tpu.memref_squeeze %dma_start3A_297 : memref<1x64xf32, #tpu.memory_space<hbm>> -> memref<64xf32, #tpu.memory_space<hbm>>
      tpu.enqueue_dma source(%dma_start3A_298 : memref<64xf32, #tpu.memory_space<hbm>>) target(%dma_start3A_295 : memref<64xf32, #tpu.memory_space<vmem>>) target_semaphore(%arg8 : memref<!tpu.dma_semaphore, #tpu.memory_space<semaphore_mem>>)
      %slice3A_299 = vector.extract_strided_slice %get3A_266 {offsets = [2], sizes = [1], strides = [1]} : vector<16xi32> to vector<1xi32>
      %squeeze3A_300 = vector.extract %slice3A_299[0] : i32 from vector<1xi32>
      %add3A_301 = arith.constant 2 : i32
      %add3A_302 = arith.addi %mul3A_263, %add3A_301 : i32
      %dma_start3A_303 = arith.constant 0 : i32
      %dma_start3A_304 = tpu.memref_slice %arg6[%add3A_302, %dma_start3A_303] : memref<512x64xf32, #tpu.memory_space<vmem>> -> memref<1x64xf32, #tpu.memory_space<vmem>>
      %dma_start3A_305 = tpu.memref_squeeze %dma_start3A_304 : memref<1x64xf32, #tpu.memory_space<vmem>> -> memref<64xf32, #tpu.memory_space<vmem>>
      %dma_start3A_306 = arith.constant 0 : i32
      %dma_start3A_307 = tpu.memref_slice %arg2[%squeeze3A_300, %dma_start3A_306] : memref<1000000x64xf32, #tpu.memory_space<hbm>> -> memref<1x64xf32, #tpu.memory_space<hbm>>
      %dma_start3A_308 = tpu.memref_squeeze %dma_start3A_307 : memref<1x64xf32, #tpu.memory_space<hbm>> -> memref<64xf32, #tpu.memory_space<hbm>>
      %dma_start3A_309 = arith.constant 0 : i32
      %dma_start3A_310 = tpu.memref_slice %arg6[%add3A_302, %dma_start3A_309] : memref<512x64xf32, #tpu.memory_space<vmem>> -> memref<1x64xf32, #tpu.memory_space<vmem>>
      %dma_start3A_311 = tpu.memref_squeeze %dma_start3A_310 : memref<1x64xf32, #tpu.memory_space<vmem>> -> memref<64xf32, #tpu.memory_space<vmem>>
      %dma_start3A_312 = arith.constant 0 : i32
      %dma_start3A_313 = tpu.memref_slice %arg2[%squeeze3A_300, %dma_start3A_312] : memref<1000000x64xf32, #tpu.memory_space<hbm>> -> memref<1x64xf32, #tpu.memory_space<hbm>>
      %dma_start3A_314 = tpu.memref_squeeze %dma_start3A_313 : memref<1x64xf32, #tpu.memory_space<hbm>> -> memref<64xf32, #tpu.memory_space<hbm>>
      tpu.enqueue_dma source(%dma_start3A_314 : memref<64xf32, #tpu.memory_space<hbm>>) target(%dma_start3A_311 : memref<64xf32, #tpu.memory_space<vmem>>) target_semaphore(%arg8 : memref<!tpu.dma_semaphore, #tpu.memory_space<semaphore_mem>>)
      %slice3A_315 = vector.extract_strided_slice %get3A_266 {offsets = [3], sizes = [1], strides = [1]} : vector<16xi32> to vector<1xi32>
      %squeeze3A_316 = vector.extract %slice3A_315[0] : i32 from vector<1xi32>
      %add3A_317 = arith.constant 3 : i32
      %add3A_318 = arith.addi %mul3A_263, %add3A_317 : i32
      %dma_start3A_319 = arith.constant 0 : i32
      %dma_start3A_320 = tpu.memref_slice %arg6[%add3A_318, %dma_start3A_319] : memref<512x64xf32, #tpu.memory_space<vmem>> -> memref<1x64xf32, #tpu.memory_space<vmem>>
      %dma_start3A_321 = tpu.memref_squeeze %dma_start3A_320 : memref<1x64xf32, #tpu.memory_space<vmem>> -> memref<64xf32, #tpu.memory_space<vmem>>
      %dma_start3A_322 = arith.constant 0 : i32
      %dma_start3A_323 = tpu.memref_slice %arg2[%squeeze3A_316, %dma_start3A_322] : memref<1000000x64xf32, #tpu.memory_space<hbm>> -> memref<1x64xf32, #tpu.memory_space<hbm>>
      %dma_start3A_324 = tpu.memref_squeeze %dma_start3A_323 : memref<1x64xf32, #tpu.memory_space<hbm>> -> memref<64xf32, #tpu.memory_space<hbm>>
      %dma_start3A_325 = arith.constant 0 : i32
      %dma_start3A_326 = tpu.memref_slice %arg6[%add3A_318, %dma_start3A_325] : memref<512x64xf32, #tpu.memory_space<vmem>> -> memref<1x64xf32, #tpu.memory_space<vmem>>
      %dma_start3A_327 = tpu.memref_squeeze %dma_start3A_326 : memref<1x64xf32, #tpu.memory_space<vmem>> -> memref<64xf32, #tpu.memory_space<vmem>>
      %dma_start3A_328 = arith.constant 0 : i32
      %dma_start3A_329 = tpu.memref_slice %arg2[%squeeze3A_316, %dma_start3A_328] : memref<1000000x64xf32, #tpu.memory_space<hbm>> -> memref<1x64xf32, #tpu.memory_space<hbm>>
      %dma_start3A_330 = tpu.memref_squeeze %dma_start3A_329 : memref<1x64xf32, #tpu.memory_space<hbm>> -> memref<64xf32, #tpu.memory_space<hbm>>
      tpu.enqueue_dma source(%dma_start3A_330 : memref<64xf32, #tpu.memory_space<hbm>>) target(%dma_start3A_327 : memref<64xf32, #tpu.memory_space<vmem>>) target_semaphore(%arg8 : memref<!tpu.dma_semaphore, #tpu.memory_space<semaphore_mem>>)
      %slice3A_331 = vector.extract_strided_slice %get3A_266 {offsets = [4], sizes = [1], strides = [1]} : vector<16xi32> to vector<1xi32>
      %squeeze3A_332 = vector.extract %slice3A_331[0] : i32 from vector<1xi32>
      %add3A_333 = arith.constant 4 : i32
      %add3A_334 = arith.addi %mul3A_263, %add3A_333 : i32
      %dma_start3A_335 = arith.constant 0 : i32
      %dma_start3A_336 = tpu.memref_slice %arg6[%add3A_334, %dma_start3A_335] : memref<512x64xf32, #tpu.memory_space<vmem>> -> memref<1x64xf32, #tpu.memory_space<vmem>>
      %dma_start3A_337 = tpu.memref_squeeze %dma_start3A_336 : memref<1x64xf32, #tpu.memory_space<vmem>> -> memref<64xf32, #tpu.memory_space<vmem>>
      %dma_start3A_338 = arith.constant 0 : i32
      %dma_start3A_339 = tpu.memref_slice %arg2[%squeeze3A_332, %dma_start3A_338] : memref<1000000x64xf32, #tpu.memory_space<hbm>> -> memref<1x64xf32, #tpu.memory_space<hbm>>
      %dma_start3A_340 = tpu.memref_squeeze %dma_start3A_339 : memref<1x64xf32, #tpu.memory_space<hbm>> -> memref<64xf32, #tpu.memory_space<hbm>>
      %dma_start3A_341 = arith.constant 0 : i32
      %dma_start3A_342 = tpu.memref_slice %arg6[%add3A_334, %dma_start3A_341] : memref<512x64xf32, #tpu.memory_space<vmem>> -> memref<1x64xf32, #tpu.memory_space<vmem>>
      %dma_start3A_343 = tpu.memref_squeeze %dma_start3A_342 : memref<1x64xf32, #tpu.memory_space<vmem>> -> memref<64xf32, #tpu.memory_space<vmem>>
      %dma_start3A_344 = arith.constant 0 : i32
      %dma_start3A_345 = tpu.memref_slice %arg2[%squeeze3A_332, %dma_start3A_344] : memref<1000000x64xf32, #tpu.memory_space<hbm>> -> memref<1x64xf32, #tpu.memory_space<hbm>>
      %dma_start3A_346 = tpu.memref_squeeze %dma_start3A_345 : memref<1x64xf32, #tpu.memory_space<hbm>> -> memref<64xf32, #tpu.memory_space<hbm>>
      tpu.enqueue_dma source(%dma_start3A_346 : memref<64xf32, #tpu.memory_space<hbm>>) target(%dma_start3A_343 : memref<64xf32, #tpu.memory_space<vmem>>) target_semaphore(%arg8 : memref<!tpu.dma_semaphore, #tpu.memory_space<semaphore_mem>>)
      %slice3A_347 = vector.extract_strided_slice %get3A_266 {offsets = [5], sizes = [1], strides = [1]} : vector<16xi32> to vector<1xi32>
      %squeeze3A_348 = vector.extract %slice3A_347[0] : i32 from vector<1xi32>
      %add3A_349 = arith.constant 5 : i32
      %add3A_350 = arith.addi %mul3A_263, %add3A_349 : i32
      %dma_start3A_351 = arith.constant 0 : i32
      %dma_start3A_352 = tpu.memref_slice %arg6[%add3A_350, %dma_start3A_351] : memref<512x64xf32, #tpu.memory_space<vmem>> -> memref<1x64xf32, #tpu.memory_space<vmem>>
      %dma_start3A_353 = tpu.memref_squeeze %dma_start3A_352 : memref<1x64xf32, #tpu.memory_space<vmem>> -> memref<64xf32, #tpu.memory_space<vmem>>
      %dma_start3A_354 = arith.constant 0 : i32
      %dma_start3A_355 = tpu.memref_slice %arg2[%squeeze3A_348, %dma_start3A_354] : memref<1000000x64xf32, #tpu.memory_space<hbm>> -> memref<1x64xf32, #tpu.memory_space<hbm>>
      %dma_start3A_356 = tpu.memref_squeeze %dma_start3A_355 : memref<1x64xf32, #tpu.memory_space<hbm>> -> memref<64xf32, #tpu.memory_space<hbm>>
      %dma_start3A_357 = arith.constant 0 : i32
      %dma_start3A_358 = tpu.memref_slice %arg6[%add3A_350, %dma_start3A_357] : memref<512x64xf32, #tpu.memory_space<vmem>> -> memref<1x64xf32, #tpu.memory_space<vmem>>
      %dma_start3A_359 = tpu.memref_squeeze %dma_start3A_358 : memref<1x64xf32, #tpu.memory_space<vmem>> -> memref<64xf32, #tpu.memory_space<vmem>>
      %dma_start3A_360 = arith.constant 0 : i32
      %dma_start3A_361 = tpu.memref_slice %arg2[%squeeze3A_348, %dma_start3A_360] : memref<1000000x64xf32, #tpu.memory_space<hbm>> -> memref<1x64xf32, #tpu.memory_space<hbm>>
      %dma_start3A_362 = tpu.memref_squeeze %dma_start3A_361 : memref<1x64xf32, #tpu.memory_space<hbm>> -> memref<64xf32, #tpu.memory_space<hbm>>
      tpu.enqueue_dma source(%dma_start3A_362 : memref<64xf32, #tpu.memory_space<hbm>>) target(%dma_start3A_359 : memref<64xf32, #tpu.memory_space<vmem>>) target_semaphore(%arg8 : memref<!tpu.dma_semaphore, #tpu.memory_space<semaphore_mem>>)
      %slice3A_363 = vector.extract_strided_slice %get3A_266 {offsets = [6], sizes = [1], strides = [1]} : vector<16xi32> to vector<1xi32>
      %squeeze3A_364 = vector.extract %slice3A_363[0] : i32 from vector<1xi32>
      %add3A_365 = arith.constant 6 : i32
      %add3A_366 = arith.addi %mul3A_263, %add3A_365 : i32
      %dma_start3A_367 = arith.constant 0 : i32
      %dma_start3A_368 = tpu.memref_slice %arg6[%add3A_366, %dma_start3A_367] : memref<512x64xf32, #tpu.memory_space<vmem>> -> memref<1x64xf32, #tpu.memory_space<vmem>>
      %dma_start3A_369 = tpu.memref_squeeze %dma_start3A_368 : memref<1x64xf32, #tpu.memory_space<vmem>> -> memref<64xf32, #tpu.memory_space<vmem>>
      %dma_start3A_370 = arith.constant 0 : i32
      %dma_start3A_371 = tpu.memref_slice %arg2[%squeeze3A_364, %dma_start3A_370] : memref<1000000x64xf32, #tpu.memory_space<hbm>> -> memref<1x64xf32, #tpu.memory_space<hbm>>
      %dma_start3A_372 = tpu.memref_squeeze %dma_start3A_371 : memref<1x64xf32, #tpu.memory_space<hbm>> -> memref<64xf32, #tpu.memory_space<hbm>>
      %dma_start3A_373 = arith.constant 0 : i32
      %dma_start3A_374 = tpu.memref_slice %arg6[%add3A_366, %dma_start3A_373] : memref<512x64xf32, #tpu.memory_space<vmem>> -> memref<1x64xf32, #tpu.memory_space<vmem>>
      %dma_start3A_375 = tpu.memref_squeeze %dma_start3A_374 : memref<1x64xf32, #tpu.memory_space<vmem>> -> memref<64xf32, #tpu.memory_space<vmem>>
      %dma_start3A_376 = arith.constant 0 : i32
      %dma_start3A_377 = tpu.memref_slice %arg2[%squeeze3A_364, %dma_start3A_376] : memref<1000000x64xf32, #tpu.memory_space<hbm>> -> memref<1x64xf32, #tpu.memory_space<hbm>>
      %dma_start3A_378 = tpu.memref_squeeze %dma_start3A_377 : memref<1x64xf32, #tpu.memory_space<hbm>> -> memref<64xf32, #tpu.memory_space<hbm>>
      tpu.enqueue_dma source(%dma_start3A_378 : memref<64xf32, #tpu.memory_space<hbm>>) target(%dma_start3A_375 : memref<64xf32, #tpu.memory_space<vmem>>) target_semaphore(%arg8 : memref<!tpu.dma_semaphore, #tpu.memory_space<semaphore_mem>>)
      %slice3A_379 = vector.extract_strided_slice %get3A_266 {offsets = [7], sizes = [1], strides = [1]} : vector<16xi32> to vector<1xi32>
      %squeeze3A_380 = vector.extract %slice3A_379[0] : i32 from vector<1xi32>
      %add3A_381 = arith.constant 7 : i32
      %add3A_382 = arith.addi %mul3A_263, %add3A_381 : i32
      %dma_start3A_383 = arith.constant 0 : i32
      %dma_start3A_384 = tpu.memref_slice %arg6[%add3A_382, %dma_start3A_383] : memref<512x64xf32, #tpu.memory_space<vmem>> -> memref<1x64xf32, #tpu.memory_space<vmem>>
      %dma_start3A_385 = tpu.memref_squeeze %dma_start3A_384 : memref<1x64xf32, #tpu.memory_space<vmem>> -> memref<64xf32, #tpu.memory_space<vmem>>
      %dma_start3A_386 = arith.constant 0 : i32
      %dma_start3A_387 = tpu.memref_slice %arg2[%squeeze3A_380, %dma_start3A_386] : memref<1000000x64xf32, #tpu.memory_space<hbm>> -> memref<1x64xf32, #tpu.memory_space<hbm>>
      %dma_start3A_388 = tpu.memref_squeeze %dma_start3A_387 : memref<1x64xf32, #tpu.memory_space<hbm>> -> memref<64xf32, #tpu.memory_space<hbm>>
      %dma_start3A_389 = arith.constant 0 : i32
      %dma_start3A_390 = tpu.memref_slice %arg6[%add3A_382, %dma_start3A_389] : memref<512x64xf32, #tpu.memory_space<vmem>> -> memref<1x64xf32, #tpu.memory_space<vmem>>
      %dma_start3A_391 = tpu.memref_squeeze %dma_start3A_390 : memref<1x64xf32, #tpu.memory_space<vmem>> -> memref<64xf32, #tpu.memory_space<vmem>>
      %dma_start3A_392 = arith.constant 0 : i32
      %dma_start3A_393 = tpu.memref_slice %arg2[%squeeze3A_380, %dma_start3A_392] : memref<1000000x64xf32, #tpu.memory_space<hbm>> -> memref<1x64xf32, #tpu.memory_space<hbm>>
      %dma_start3A_394 = tpu.memref_squeeze %dma_start3A_393 : memref<1x64xf32, #tpu.memory_space<hbm>> -> memref<64xf32, #tpu.memory_space<hbm>>
      tpu.enqueue_dma source(%dma_start3A_394 : memref<64xf32, #tpu.memory_space<hbm>>) target(%dma_start3A_391 : memref<64xf32, #tpu.memory_space<vmem>>) target_semaphore(%arg8 : memref<!tpu.dma_semaphore, #tpu.memory_space<semaphore_mem>>)
      %slice3A_395 = vector.extract_strided_slice %get3A_266 {offsets = [8], sizes = [1], strides = [1]} : vector<16xi32> to vector<1xi32>
      %squeeze3A_396 = vector.extract %slice3A_395[0] : i32 from vector<1xi32>
      %add3A_397 = arith.constant 8 : i32
      %add3A_398 = arith.addi %mul3A_263, %add3A_397 : i32
      %dma_start3A_399 = arith.constant 0 : i32
      %dma_start3A_400 = tpu.memref_slice %arg6[%add3A_398, %dma_start3A_399] : memref<512x64xf32, #tpu.memory_space<vmem>> -> memref<1x64xf32, #tpu.memory_space<vmem>>
      %dma_start3A_401 = tpu.memref_squeeze %dma_start3A_400 : memref<1x64xf32, #tpu.memory_space<vmem>> -> memref<64xf32, #tpu.memory_space<vmem>>
      %dma_start3A_402 = arith.constant 0 : i32
      %dma_start3A_403 = tpu.memref_slice %arg2[%squeeze3A_396, %dma_start3A_402] : memref<1000000x64xf32, #tpu.memory_space<hbm>> -> memref<1x64xf32, #tpu.memory_space<hbm>>
      %dma_start3A_404 = tpu.memref_squeeze %dma_start3A_403 : memref<1x64xf32, #tpu.memory_space<hbm>> -> memref<64xf32, #tpu.memory_space<hbm>>
      %dma_start3A_405 = arith.constant 0 : i32
      %dma_start3A_406 = tpu.memref_slice %arg6[%add3A_398, %dma_start3A_405] : memref<512x64xf32, #tpu.memory_space<vmem>> -> memref<1x64xf32, #tpu.memory_space<vmem>>
      %dma_start3A_407 = tpu.memref_squeeze %dma_start3A_406 : memref<1x64xf32, #tpu.memory_space<vmem>> -> memref<64xf32, #tpu.memory_space<vmem>>
      %dma_start3A_408 = arith.constant 0 : i32
      %dma_start3A_409 = tpu.memref_slice %arg2[%squeeze3A_396, %dma_start3A_408] : memref<1000000x64xf32, #tpu.memory_space<hbm>> -> memref<1x64xf32, #tpu.memory_space<hbm>>
      %dma_start3A_410 = tpu.memref_squeeze %dma_start3A_409 : memref<1x64xf32, #tpu.memory_space<hbm>> -> memref<64xf32, #tpu.memory_space<hbm>>
      tpu.enqueue_dma source(%dma_start3A_410 : memref<64xf32, #tpu.memory_space<hbm>>) target(%dma_start3A_407 : memref<64xf32, #tpu.memory_space<vmem>>) target_semaphore(%arg8 : memref<!tpu.dma_semaphore, #tpu.memory_space<semaphore_mem>>)
      %slice3A_411 = vector.extract_strided_slice %get3A_266 {offsets = [9], sizes = [1], strides = [1]} : vector<16xi32> to vector<1xi32>
      %squeeze3A_412 = vector.extract %slice3A_411[0] : i32 from vector<1xi32>
      %add3A_413 = arith.constant 9 : i32
      %add3A_414 = arith.addi %mul3A_263, %add3A_413 : i32
      %dma_start3A_415 = arith.constant 0 : i32
      %dma_start3A_416 = tpu.memref_slice %arg6[%add3A_414, %dma_start3A_415] : memref<512x64xf32, #tpu.memory_space<vmem>> -> memref<1x64xf32, #tpu.memory_space<vmem>>
      %dma_start3A_417 = tpu.memref_squeeze %dma_start3A_416 : memref<1x64xf32, #tpu.memory_space<vmem>> -> memref<64xf32, #tpu.memory_space<vmem>>
      %dma_start3A_418 = arith.constant 0 : i32
      %dma_start3A_419 = tpu.memref_slice %arg2[%squeeze3A_412, %dma_start3A_418] : memref<1000000x64xf32, #tpu.memory_space<hbm>> -> memref<1x64xf32, #tpu.memory_space<hbm>>
      %dma_start3A_420 = tpu.memref_squeeze %dma_start3A_419 : memref<1x64xf32, #tpu.memory_space<hbm>> -> memref<64xf32, #tpu.memory_space<hbm>>
      %dma_start3A_421 = arith.constant 0 : i32
      %dma_start3A_422 = tpu.memref_slice %arg6[%add3A_414, %dma_start3A_421] : memref<512x64xf32, #tpu.memory_space<vmem>> -> memref<1x64xf32, #tpu.memory_space<vmem>>
      %dma_start3A_423 = tpu.memref_squeeze %dma_start3A_422 : memref<1x64xf32, #tpu.memory_space<vmem>> -> memref<64xf32, #tpu.memory_space<vmem>>
      %dma_start3A_424 = arith.constant 0 : i32
      %dma_start3A_425 = tpu.memref_slice %arg2[%squeeze3A_412, %dma_start3A_424] : memref<1000000x64xf32, #tpu.memory_space<hbm>> -> memref<1x64xf32, #tpu.memory_space<hbm>>
      %dma_start3A_426 = tpu.memref_squeeze %dma_start3A_425 : memref<1x64xf32, #tpu.memory_space<hbm>> -> memref<64xf32, #tpu.memory_space<hbm>>
      tpu.enqueue_dma source(%dma_start3A_426 : memref<64xf32, #tpu.memory_space<hbm>>) target(%dma_start3A_423 : memref<64xf32, #tpu.memory_space<vmem>>) target_semaphore(%arg8 : memref<!tpu.dma_semaphore, #tpu.memory_space<semaphore_mem>>)
      %slice3A_427 = vector.extract_strided_slice %get3A_266 {offsets = [10], sizes = [1], strides = [1]} : vector<16xi32> to vector<1xi32>
      %squeeze3A_428 = vector.extract %slice3A_427[0] : i32 from vector<1xi32>
      %add3A_429 = arith.constant 10 : i32
      %add3A_430 = arith.addi %mul3A_263, %add3A_429 : i32
      %dma_start3A_431 = arith.constant 0 : i32
      %dma_start3A_432 = tpu.memref_slice %arg6[%add3A_430, %dma_start3A_431] : memref<512x64xf32, #tpu.memory_space<vmem>> -> memref<1x64xf32, #tpu.memory_space<vmem>>
      %dma_start3A_433 = tpu.memref_squeeze %dma_start3A_432 : memref<1x64xf32, #tpu.memory_space<vmem>> -> memref<64xf32, #tpu.memory_space<vmem>>
      %dma_start3A_434 = arith.constant 0 : i32
      %dma_start3A_435 = tpu.memref_slice %arg2[%squeeze3A_428, %dma_start3A_434] : memref<1000000x64xf32, #tpu.memory_space<hbm>> -> memref<1x64xf32, #tpu.memory_space<hbm>>
      %dma_start3A_436 = tpu.memref_squeeze %dma_start3A_435 : memref<1x64xf32, #tpu.memory_space<hbm>> -> memref<64xf32, #tpu.memory_space<hbm>>
      %dma_start3A_437 = arith.constant 0 : i32
      %dma_start3A_438 = tpu.memref_slice %arg6[%add3A_430, %dma_start3A_437] : memref<512x64xf32, #tpu.memory_space<vmem>> -> memref<1x64xf32, #tpu.memory_space<vmem>>
      %dma_start3A_439 = tpu.memref_squeeze %dma_start3A_438 : memref<1x64xf32, #tpu.memory_space<vmem>> -> memref<64xf32, #tpu.memory_space<vmem>>
      %dma_start3A_440 = arith.constant 0 : i32
      %dma_start3A_441 = tpu.memref_slice %arg2[%squeeze3A_428, %dma_start3A_440] : memref<1000000x64xf32, #tpu.memory_space<hbm>> -> memref<1x64xf32, #tpu.memory_space<hbm>>
      %dma_start3A_442 = tpu.memref_squeeze %dma_start3A_441 : memref<1x64xf32, #tpu.memory_space<hbm>> -> memref<64xf32, #tpu.memory_space<hbm>>
      tpu.enqueue_dma source(%dma_start3A_442 : memref<64xf32, #tpu.memory_space<hbm>>) target(%dma_start3A_439 : memref<64xf32, #tpu.memory_space<vmem>>) target_semaphore(%arg8 : memref<!tpu.dma_semaphore, #tpu.memory_space<semaphore_mem>>)
      %slice3A_443 = vector.extract_strided_slice %get3A_266 {offsets = [11], sizes = [1], strides = [1]} : vector<16xi32> to vector<1xi32>
      %squeeze3A_444 = vector.extract %slice3A_443[0] : i32 from vector<1xi32>
      %add3A_445 = arith.constant 11 : i32
      %add3A_446 = arith.addi %mul3A_263, %add3A_445 : i32
      %dma_start3A_447 = arith.constant 0 : i32
      %dma_start3A_448 = tpu.memref_slice %arg6[%add3A_446, %dma_start3A_447] : memref<512x64xf32, #tpu.memory_space<vmem>> -> memref<1x64xf32, #tpu.memory_space<vmem>>
      %dma_start3A_449 = tpu.memref_squeeze %dma_start3A_448 : memref<1x64xf32, #tpu.memory_space<vmem>> -> memref<64xf32, #tpu.memory_space<vmem>>
      %dma_start3A_450 = arith.constant 0 : i32
      %dma_start3A_451 = tpu.memref_slice %arg2[%squeeze3A_444, %dma_start3A_450] : memref<1000000x64xf32, #tpu.memory_space<hbm>> -> memref<1x64xf32, #tpu.memory_space<hbm>>
      %dma_start3A_452 = tpu.memref_squeeze %dma_start3A_451 : memref<1x64xf32, #tpu.memory_space<hbm>> -> memref<64xf32, #tpu.memory_space<hbm>>
      %dma_start3A_453 = arith.constant 0 : i32
      %dma_start3A_454 = tpu.memref_slice %arg6[%add3A_446, %dma_start3A_453] : memref<512x64xf32, #tpu.memory_space<vmem>> -> memref<1x64xf32, #tpu.memory_space<vmem>>
      %dma_start3A_455 = tpu.memref_squeeze %dma_start3A_454 : memref<1x64xf32, #tpu.memory_space<vmem>> -> memref<64xf32, #tpu.memory_space<vmem>>
      %dma_start3A_456 = arith.constant 0 : i32
      %dma_start3A_457 = tpu.memref_slice %arg2[%squeeze3A_444, %dma_start3A_456] : memref<1000000x64xf32, #tpu.memory_space<hbm>> -> memref<1x64xf32, #tpu.memory_space<hbm>>
      %dma_start3A_458 = tpu.memref_squeeze %dma_start3A_457 : memref<1x64xf32, #tpu.memory_space<hbm>> -> memref<64xf32, #tpu.memory_space<hbm>>
      tpu.enqueue_dma source(%dma_start3A_458 : memref<64xf32, #tpu.memory_space<hbm>>) target(%dma_start3A_455 : memref<64xf32, #tpu.memory_space<vmem>>) target_semaphore(%arg8 : memref<!tpu.dma_semaphore, #tpu.memory_space<semaphore_mem>>)
      %slice3A_459 = vector.extract_strided_slice %get3A_266 {offsets = [12], sizes = [1], strides = [1]} : vector<16xi32> to vector<1xi32>
      %squeeze3A_460 = vector.extract %slice3A_459[0] : i32 from vector<1xi32>
      %add3A_461 = arith.constant 12 : i32
      %add3A_462 = arith.addi %mul3A_263, %add3A_461 : i32
      %dma_start3A_463 = arith.constant 0 : i32
      %dma_start3A_464 = tpu.memref_slice %arg6[%add3A_462, %dma_start3A_463] : memref<512x64xf32, #tpu.memory_space<vmem>> -> memref<1x64xf32, #tpu.memory_space<vmem>>
      %dma_start3A_465 = tpu.memref_squeeze %dma_start3A_464 : memref<1x64xf32, #tpu.memory_space<vmem>> -> memref<64xf32, #tpu.memory_space<vmem>>
      %dma_start3A_466 = arith.constant 0 : i32
      %dma_start3A_467 = tpu.memref_slice %arg2[%squeeze3A_460, %dma_start3A_466] : memref<1000000x64xf32, #tpu.memory_space<hbm>> -> memref<1x64xf32, #tpu.memory_space<hbm>>
      %dma_start3A_468 = tpu.memref_squeeze %dma_start3A_467 : memref<1x64xf32, #tpu.memory_space<hbm>> -> memref<64xf32, #tpu.memory_space<hbm>>
      %dma_start3A_469 = arith.constant 0 : i32
      %dma_start3A_470 = tpu.memref_slice %arg6[%add3A_462, %dma_start3A_469] : memref<512x64xf32, #tpu.memory_space<vmem>> -> memref<1x64xf32, #tpu.memory_space<vmem>>
      %dma_start3A_471 = tpu.memref_squeeze %dma_start3A_470 : memref<1x64xf32, #tpu.memory_space<vmem>> -> memref<64xf32, #tpu.memory_space<vmem>>
      %dma_start3A_472 = arith.constant 0 : i32
      %dma_start3A_473 = tpu.memref_slice %arg2[%squeeze3A_460, %dma_start3A_472] : memref<1000000x64xf32, #tpu.memory_space<hbm>> -> memref<1x64xf32, #tpu.memory_space<hbm>>
      %dma_start3A_474 = tpu.memref_squeeze %dma_start3A_473 : memref<1x64xf32, #tpu.memory_space<hbm>> -> memref<64xf32, #tpu.memory_space<hbm>>
      tpu.enqueue_dma source(%dma_start3A_474 : memref<64xf32, #tpu.memory_space<hbm>>) target(%dma_start3A_471 : memref<64xf32, #tpu.memory_space<vmem>>) target_semaphore(%arg8 : memref<!tpu.dma_semaphore, #tpu.memory_space<semaphore_mem>>)
      %slice3A_475 = vector.extract_strided_slice %get3A_266 {offsets = [13], sizes = [1], strides = [1]} : vector<16xi32> to vector<1xi32>
      %squeeze3A_476 = vector.extract %slice3A_475[0] : i32 from vector<1xi32>
      %add3A_477 = arith.constant 13 : i32
      %add3A_478 = arith.addi %mul3A_263, %add3A_477 : i32
      %dma_start3A_479 = arith.constant 0 : i32
      %dma_start3A_480 = tpu.memref_slice %arg6[%add3A_478, %dma_start3A_479] : memref<512x64xf32, #tpu.memory_space<vmem>> -> memref<1x64xf32, #tpu.memory_space<vmem>>
      %dma_start3A_481 = tpu.memref_squeeze %dma_start3A_480 : memref<1x64xf32, #tpu.memory_space<vmem>> -> memref<64xf32, #tpu.memory_space<vmem>>
      %dma_start3A_482 = arith.constant 0 : i32
      %dma_start3A_483 = tpu.memref_slice %arg2[%squeeze3A_476, %dma_start3A_482] : memref<1000000x64xf32, #tpu.memory_space<hbm>> -> memref<1x64xf32, #tpu.memory_space<hbm>>
      %dma_start3A_484 = tpu.memref_squeeze %dma_start3A_483 : memref<1x64xf32, #tpu.memory_space<hbm>> -> memref<64xf32, #tpu.memory_space<hbm>>
      %dma_start3A_485 = arith.constant 0 : i32
      %dma_start3A_486 = tpu.memref_slice %arg6[%add3A_478, %dma_start3A_485] : memref<512x64xf32, #tpu.memory_space<vmem>> -> memref<1x64xf32, #tpu.memory_space<vmem>>
      %dma_start3A_487 = tpu.memref_squeeze %dma_start3A_486 : memref<1x64xf32, #tpu.memory_space<vmem>> -> memref<64xf32, #tpu.memory_space<vmem>>
      %dma_start3A_488 = arith.constant 0 : i32
      %dma_start3A_489 = tpu.memref_slice %arg2[%squeeze3A_476, %dma_start3A_488] : memref<1000000x64xf32, #tpu.memory_space<hbm>> -> memref<1x64xf32, #tpu.memory_space<hbm>>
      %dma_start3A_490 = tpu.memref_squeeze %dma_start3A_489 : memref<1x64xf32, #tpu.memory_space<hbm>> -> memref<64xf32, #tpu.memory_space<hbm>>
      tpu.enqueue_dma source(%dma_start3A_490 : memref<64xf32, #tpu.memory_space<hbm>>) target(%dma_start3A_487 : memref<64xf32, #tpu.memory_space<vmem>>) target_semaphore(%arg8 : memref<!tpu.dma_semaphore, #tpu.memory_space<semaphore_mem>>)
      %slice3A_491 = vector.extract_strided_slice %get3A_266 {offsets = [14], sizes = [1], strides = [1]} : vector<16xi32> to vector<1xi32>
      %squeeze3A_492 = vector.extract %slice3A_491[0] : i32 from vector<1xi32>
      %add3A_493 = arith.constant 14 : i32
      %add3A_494 = arith.addi %mul3A_263, %add3A_493 : i32
      %dma_start3A_495 = arith.constant 0 : i32
      %dma_start3A_496 = tpu.memref_slice %arg6[%add3A_494, %dma_start3A_495] : memref<512x64xf32, #tpu.memory_space<vmem>> -> memref<1x64xf32, #tpu.memory_space<vmem>>
      %dma_start3A_497 = tpu.memref_squeeze %dma_start3A_496 : memref<1x64xf32, #tpu.memory_space<vmem>> -> memref<64xf32, #tpu.memory_space<vmem>>
      %dma_start3A_498 = arith.constant 0 : i32
      %dma_start3A_499 = tpu.memref_slice %arg2[%squeeze3A_492, %dma_start3A_498] : memref<1000000x64xf32, #tpu.memory_space<hbm>> -> memref<1x64xf32, #tpu.memory_space<hbm>>
      %dma_start3A_500 = tpu.memref_squeeze %dma_start3A_499 : memref<1x64xf32, #tpu.memory_space<hbm>> -> memref<64xf32, #tpu.memory_space<hbm>>
      %dma_start3A_501 = arith.constant 0 : i32
      %dma_start3A_502 = tpu.memref_slice %arg6[%add3A_494, %dma_start3A_501] : memref<512x64xf32, #tpu.memory_space<vmem>> -> memref<1x64xf32, #tpu.memory_space<vmem>>
      %dma_start3A_503 = tpu.memref_squeeze %dma_start3A_502 : memref<1x64xf32, #tpu.memory_space<vmem>> -> memref<64xf32, #tpu.memory_space<vmem>>
      %dma_start3A_504 = arith.constant 0 : i32
      %dma_start3A_505 = tpu.memref_slice %arg2[%squeeze3A_492, %dma_start3A_504] : memref<1000000x64xf32, #tpu.memory_space<hbm>> -> memref<1x64xf32, #tpu.memory_space<hbm>>
      %dma_start3A_506 = tpu.memref_squeeze %dma_start3A_505 : memref<1x64xf32, #tpu.memory_space<hbm>> -> memref<64xf32, #tpu.memory_space<hbm>>
      tpu.enqueue_dma source(%dma_start3A_506 : memref<64xf32, #tpu.memory_space<hbm>>) target(%dma_start3A_503 : memref<64xf32, #tpu.memory_space<vmem>>) target_semaphore(%arg8 : memref<!tpu.dma_semaphore, #tpu.memory_space<semaphore_mem>>)
      %slice3A_507 = vector.extract_strided_slice %get3A_266 {offsets = [15], sizes = [1], strides = [1]} : vector<16xi32> to vector<1xi32>
      %squeeze3A_508 = vector.extract %slice3A_507[0] : i32 from vector<1xi32>
      %add3A_509 = arith.constant 15 : i32
      %add3A_510 = arith.addi %mul3A_263, %add3A_509 : i32
      %dma_start3A_511 = arith.constant 0 : i32
      %dma_start3A_512 = tpu.memref_slice %arg6[%add3A_510, %dma_start3A_511] : memref<512x64xf32, #tpu.memory_space<vmem>> -> memref<1x64xf32, #tpu.memory_space<vmem>>
      %dma_start3A_513 = tpu.memref_squeeze %dma_start3A_512 : memref<1x64xf32, #tpu.memory_space<vmem>> -> memref<64xf32, #tpu.memory_space<vmem>>
      %dma_start3A_514 = arith.constant 0 : i32
      %dma_start3A_515 = tpu.memref_slice %arg2[%squeeze3A_508, %dma_start3A_514] : memref<1000000x64xf32, #tpu.memory_space<hbm>> -> memref<1x64xf32, #tpu.memory_space<hbm>>
      %dma_start3A_516 = tpu.memref_squeeze %dma_start3A_515 : memref<1x64xf32, #tpu.memory_space<hbm>> -> memref<64xf32, #tpu.memory_space<hbm>>
      %dma_start3A_517 = arith.constant 0 : i32
      %dma_start3A_518 = tpu.memref_slice %arg6[%add3A_510, %dma_start3A_517] : memref<512x64xf32, #tpu.memory_space<vmem>> -> memref<1x64xf32, #tpu.memory_space<vmem>>
      %dma_start3A_519 = tpu.memref_squeeze %dma_start3A_518 : memref<1x64xf32, #tpu.memory_space<vmem>> -> memref<64xf32, #tpu.memory_space<vmem>>
      %dma_start3A_520 = arith.constant 0 : i32
      %dma_start3A_521 = tpu.memref_slice %arg2[%squeeze3A_508, %dma_start3A_520] : memref<1000000x64xf32, #tpu.memory_space<hbm>> -> memref<1x64xf32, #tpu.memory_space<hbm>>
      %dma_start3A_522 = tpu.memref_squeeze %dma_start3A_521 : memref<1x64xf32, #tpu.memory_space<hbm>> -> memref<64xf32, #tpu.memory_space<hbm>>
      tpu.enqueue_dma source(%dma_start3A_522 : memref<64xf32, #tpu.memory_space<hbm>>) target(%dma_start3A_519 : memref<64xf32, #tpu.memory_space<vmem>>) target_semaphore(%arg8 : memref<!tpu.dma_semaphore, #tpu.memory_space<semaphore_mem>>)
      %mul3A_523 = arith.constant 16 : i32
      %mul3A_524 = arith.muli %mul3A_259, %mul3A_523 : i32
      %add3A_525 = arith.constant 0 : i32
      %add3A_526 = arith.addi %mul3A_524, %add3A_525 : i32
      %dma_wait3A_527 = arith.constant 0 : i32
      %dma_wait3A_528 = arith.constant 0 : i32
      %dma_wait3A_529 = tpu.memref_slice %arg6[%add3A_526, %dma_wait3A_528] : memref<512x64xf32, #tpu.memory_space<vmem>> -> memref<1x64xf32, #tpu.memory_space<vmem>>
      %dma_wait3A_530 = tpu.memref_squeeze %dma_wait3A_529 : memref<1x64xf32, #tpu.memory_space<vmem>> -> memref<64xf32, #tpu.memory_space<vmem>>
      %dma_wait3A_531 = arith.constant 0 : i32
      %dma_wait3A_532 = tpu.memref_slice %arg2[%dma_wait3A_527, %dma_wait3A_531] : memref<1000000x64xf32, #tpu.memory_space<hbm>> -> memref<1x64xf32, #tpu.memory_space<hbm>>
      %dma_wait3A_533 = tpu.memref_squeeze %dma_wait3A_532 : memref<1x64xf32, #tpu.memory_space<hbm>> -> memref<64xf32, #tpu.memory_space<hbm>>
      %dma_wait3A_534 = arith.constant 0 : i32
      %dma_wait3A_535 = tpu.memref_slice %arg6[%add3A_526, %dma_wait3A_534] : memref<512x64xf32, #tpu.memory_space<vmem>> -> memref<1x64xf32, #tpu.memory_space<vmem>>
      %dma_wait3A_536 = tpu.memref_squeeze %dma_wait3A_535 : memref<1x64xf32, #tpu.memory_space<vmem>> -> memref<64xf32, #tpu.memory_space<vmem>>
      %dma_wait3A_537 = arith.constant 0 : i32
      %dma_wait3A_538 = tpu.memref_slice %arg2[%dma_wait3A_527, %dma_wait3A_537] : memref<1000000x64xf32, #tpu.memory_space<hbm>> -> memref<1x64xf32, #tpu.memory_space<hbm>>
      %dma_wait3A_539 = tpu.memref_squeeze %dma_wait3A_538 : memref<1x64xf32, #tpu.memory_space<hbm>> -> memref<64xf32, #tpu.memory_space<hbm>>
      tpu.wait_dma2 semaphore(%arg7 : memref<!tpu.dma_semaphore, #tpu.memory_space<semaphore_mem>>) src(%dma_wait3A_539 : memref<64xf32, #tpu.memory_space<hbm>>) dst(%dma_wait3A_536 : memref<64xf32, #tpu.memory_space<vmem>>)
      %add3A_540 = arith.constant 1 : i32
      %add3A_541 = arith.addi %mul3A_524, %add3A_540 : i32
      %dma_wait3A_542 = arith.constant 0 : i32
      %dma_wait3A_543 = arith.constant 0 : i32
      %dma_wait3A_544 = tpu.memref_slice %arg6[%add3A_541, %dma_wait3A_543] : memref<512x64xf32, #tpu.memory_space<vmem>> -> memref<1x64xf32, #tpu.memory_space<vmem>>
      %dma_wait3A_545 = tpu.memref_squeeze %dma_wait3A_544 : memref<1x64xf32, #tpu.memory_space<vmem>> -> memref<64xf32, #tpu.memory_space<vmem>>
      %dma_wait3A_546 = arith.constant 0 : i32
      %dma_wait3A_547 = tpu.memref_slice %arg2[%dma_wait3A_542, %dma_wait3A_546] : memref<1000000x64xf32, #tpu.memory_space<hbm>> -> memref<1x64xf32, #tpu.memory_space<hbm>>
      %dma_wait3A_548 = tpu.memref_squeeze %dma_wait3A_547 : memref<1x64xf32, #tpu.memory_space<hbm>> -> memref<64xf32, #tpu.memory_space<hbm>>
      %dma_wait3A_549 = arith.constant 0 : i32
      %dma_wait3A_550 = tpu.memref_slice %arg6[%add3A_541, %dma_wait3A_549] : memref<512x64xf32, #tpu.memory_space<vmem>> -> memref<1x64xf32, #tpu.memory_space<vmem>>
      %dma_wait3A_551 = tpu.memref_squeeze %dma_wait3A_550 : memref<1x64xf32, #tpu.memory_space<vmem>> -> memref<64xf32, #tpu.memory_space<vmem>>
      %dma_wait3A_552 = arith.constant 0 : i32
      %dma_wait3A_553 = tpu.memref_slice %arg2[%dma_wait3A_542, %dma_wait3A_552] : memref<1000000x64xf32, #tpu.memory_space<hbm>> -> memref<1x64xf32, #tpu.memory_space<hbm>>
      %dma_wait3A_554 = tpu.memref_squeeze %dma_wait3A_553 : memref<1x64xf32, #tpu.memory_space<hbm>> -> memref<64xf32, #tpu.memory_space<hbm>>
      tpu.wait_dma2 semaphore(%arg7 : memref<!tpu.dma_semaphore, #tpu.memory_space<semaphore_mem>>) src(%dma_wait3A_554 : memref<64xf32, #tpu.memory_space<hbm>>) dst(%dma_wait3A_551 : memref<64xf32, #tpu.memory_space<vmem>>)
      %add3A_555 = arith.constant 2 : i32
      %add3A_556 = arith.addi %mul3A_524, %add3A_555 : i32
      %dma_wait3A_557 = arith.constant 0 : i32
      %dma_wait3A_558 = arith.constant 0 : i32
      %dma_wait3A_559 = tpu.memref_slice %arg6[%add3A_556, %dma_wait3A_558] : memref<512x64xf32, #tpu.memory_space<vmem>> -> memref<1x64xf32, #tpu.memory_space<vmem>>
      %dma_wait3A_560 = tpu.memref_squeeze %dma_wait3A_559 : memref<1x64xf32, #tpu.memory_space<vmem>> -> memref<64xf32, #tpu.memory_space<vmem>>
      %dma_wait3A_561 = arith.constant 0 : i32
      %dma_wait3A_562 = tpu.memref_slice %arg2[%dma_wait3A_557, %dma_wait3A_561] : memref<1000000x64xf32, #tpu.memory_space<hbm>> -> memref<1x64xf32, #tpu.memory_space<hbm>>
      %dma_wait3A_563 = tpu.memref_squeeze %dma_wait3A_562 : memref<1x64xf32, #tpu.memory_space<hbm>> -> memref<64xf32, #tpu.memory_space<hbm>>
      %dma_wait3A_564 = arith.constant 0 : i32
      %dma_wait3A_565 = tpu.memref_slice %arg6[%add3A_556, %dma_wait3A_564] : memref<512x64xf32, #tpu.memory_space<vmem>> -> memref<1x64xf32, #tpu.memory_space<vmem>>
      %dma_wait3A_566 = tpu.memref_squeeze %dma_wait3A_565 : memref<1x64xf32, #tpu.memory_space<vmem>> -> memref<64xf32, #tpu.memory_space<vmem>>
      %dma_wait3A_567 = arith.constant 0 : i32
      %dma_wait3A_568 = tpu.memref_slice %arg2[%dma_wait3A_557, %dma_wait3A_567] : memref<1000000x64xf32, #tpu.memory_space<hbm>> -> memref<1x64xf32, #tpu.memory_space<hbm>>
      %dma_wait3A_569 = tpu.memref_squeeze %dma_wait3A_568 : memref<1x64xf32, #tpu.memory_space<hbm>> -> memref<64xf32, #tpu.memory_space<hbm>>
      tpu.wait_dma2 semaphore(%arg7 : memref<!tpu.dma_semaphore, #tpu.memory_space<semaphore_mem>>) src(%dma_wait3A_569 : memref<64xf32, #tpu.memory_space<hbm>>) dst(%dma_wait3A_566 : memref<64xf32, #tpu.memory_space<vmem>>)
      %add3A_570 = arith.constant 3 : i32
      %add3A_571 = arith.addi %mul3A_524, %add3A_570 : i32
      %dma_wait3A_572 = arith.constant 0 : i32
      %dma_wait3A_573 = arith.constant 0 : i32
      %dma_wait3A_574 = tpu.memref_slice %arg6[%add3A_571, %dma_wait3A_573] : memref<512x64xf32, #tpu.memory_space<vmem>> -> memref<1x64xf32, #tpu.memory_space<vmem>>
      %dma_wait3A_575 = tpu.memref_squeeze %dma_wait3A_574 : memref<1x64xf32, #tpu.memory_space<vmem>> -> memref<64xf32, #tpu.memory_space<vmem>>
      %dma_wait3A_576 = arith.constant 0 : i32
      %dma_wait3A_577 = tpu.memref_slice %arg2[%dma_wait3A_572, %dma_wait3A_576] : memref<1000000x64xf32, #tpu.memory_space<hbm>> -> memref<1x64xf32, #tpu.memory_space<hbm>>
      %dma_wait3A_578 = tpu.memref_squeeze %dma_wait3A_577 : memref<1x64xf32, #tpu.memory_space<hbm>> -> memref<64xf32, #tpu.memory_space<hbm>>
      %dma_wait3A_579 = arith.constant 0 : i32
      %dma_wait3A_580 = tpu.memref_slice %arg6[%add3A_571, %dma_wait3A_579] : memref<512x64xf32, #tpu.memory_space<vmem>> -> memref<1x64xf32, #tpu.memory_space<vmem>>
      %dma_wait3A_581 = tpu.memref_squeeze %dma_wait3A_580 : memref<1x64xf32, #tpu.memory_space<vmem>> -> memref<64xf32, #tpu.memory_space<vmem>>
      %dma_wait3A_582 = arith.constant 0 : i32
      %dma_wait3A_583 = tpu.memref_slice %arg2[%dma_wait3A_572, %dma_wait3A_582] : memref<1000000x64xf32, #tpu.memory_space<hbm>> -> memref<1x64xf32, #tpu.memory_space<hbm>>
      %dma_wait3A_584 = tpu.memref_squeeze %dma_wait3A_583 : memref<1x64xf32, #tpu.memory_space<hbm>> -> memref<64xf32, #tpu.memory_space<hbm>>
      tpu.wait_dma2 semaphore(%arg7 : memref<!tpu.dma_semaphore, #tpu.memory_space<semaphore_mem>>) src(%dma_wait3A_584 : memref<64xf32, #tpu.memory_space<hbm>>) dst(%dma_wait3A_581 : memref<64xf32, #tpu.memory_space<vmem>>)
      %add3A_585 = arith.constant 4 : i32
      %add3A_586 = arith.addi %mul3A_524, %add3A_585 : i32
      %dma_wait3A_587 = arith.constant 0 : i32
      %dma_wait3A_588 = arith.constant 0 : i32
      %dma_wait3A_589 = tpu.memref_slice %arg6[%add3A_586, %dma_wait3A_588] : memref<512x64xf32, #tpu.memory_space<vmem>> -> memref<1x64xf32, #tpu.memory_space<vmem>>
      %dma_wait3A_590 = tpu.memref_squeeze %dma_wait3A_589 : memref<1x64xf32, #tpu.memory_space<vmem>> -> memref<64xf32, #tpu.memory_space<vmem>>
      %dma_wait3A_591 = arith.constant 0 : i32
      %dma_wait3A_592 = tpu.memref_slice %arg2[%dma_wait3A_587, %dma_wait3A_591] : memref<1000000x64xf32, #tpu.memory_space<hbm>> -> memref<1x64xf32, #tpu.memory_space<hbm>>
      %dma_wait3A_593 = tpu.memref_squeeze %dma_wait3A_592 : memref<1x64xf32, #tpu.memory_space<hbm>> -> memref<64xf32, #tpu.memory_space<hbm>>
      %dma_wait3A_594 = arith.constant 0 : i32
      %dma_wait3A_595 = tpu.memref_slice %arg6[%add3A_586, %dma_wait3A_594] : memref<512x64xf32, #tpu.memory_space<vmem>> -> memref<1x64xf32, #tpu.memory_space<vmem>>
      %dma_wait3A_596 = tpu.memref_squeeze %dma_wait3A_595 : memref<1x64xf32, #tpu.memory_space<vmem>> -> memref<64xf32, #tpu.memory_space<vmem>>
      %dma_wait3A_597 = arith.constant 0 : i32
      %dma_wait3A_598 = tpu.memref_slice %arg2[%dma_wait3A_587, %dma_wait3A_597] : memref<1000000x64xf32, #tpu.memory_space<hbm>> -> memref<1x64xf32, #tpu.memory_space<hbm>>
      %dma_wait3A_599 = tpu.memref_squeeze %dma_wait3A_598 : memref<1x64xf32, #tpu.memory_space<hbm>> -> memref<64xf32, #tpu.memory_space<hbm>>
      tpu.wait_dma2 semaphore(%arg7 : memref<!tpu.dma_semaphore, #tpu.memory_space<semaphore_mem>>) src(%dma_wait3A_599 : memref<64xf32, #tpu.memory_space<hbm>>) dst(%dma_wait3A_596 : memref<64xf32, #tpu.memory_space<vmem>>)
      %add3A_600 = arith.constant 5 : i32
      %add3A_601 = arith.addi %mul3A_524, %add3A_600 : i32
      %dma_wait3A_602 = arith.constant 0 : i32
      %dma_wait3A_603 = arith.constant 0 : i32
      %dma_wait3A_604 = tpu.memref_slice %arg6[%add3A_601, %dma_wait3A_603] : memref<512x64xf32, #tpu.memory_space<vmem>> -> memref<1x64xf32, #tpu.memory_space<vmem>>
      %dma_wait3A_605 = tpu.memref_squeeze %dma_wait3A_604 : memref<1x64xf32, #tpu.memory_space<vmem>> -> memref<64xf32, #tpu.memory_space<vmem>>
      %dma_wait3A_606 = arith.constant 0 : i32
      %dma_wait3A_607 = tpu.memref_slice %arg2[%dma_wait3A_602, %dma_wait3A_606] : memref<1000000x64xf32, #tpu.memory_space<hbm>> -> memref<1x64xf32, #tpu.memory_space<hbm>>
      %dma_wait3A_608 = tpu.memref_squeeze %dma_wait3A_607 : memref<1x64xf32, #tpu.memory_space<hbm>> -> memref<64xf32, #tpu.memory_space<hbm>>
      %dma_wait3A_609 = arith.constant 0 : i32
      %dma_wait3A_610 = tpu.memref_slice %arg6[%add3A_601, %dma_wait3A_609] : memref<512x64xf32, #tpu.memory_space<vmem>> -> memref<1x64xf32, #tpu.memory_space<vmem>>
      %dma_wait3A_611 = tpu.memref_squeeze %dma_wait3A_610 : memref<1x64xf32, #tpu.memory_space<vmem>> -> memref<64xf32, #tpu.memory_space<vmem>>
      %dma_wait3A_612 = arith.constant 0 : i32
      %dma_wait3A_613 = tpu.memref_slice %arg2[%dma_wait3A_602, %dma_wait3A_612] : memref<1000000x64xf32, #tpu.memory_space<hbm>> -> memref<1x64xf32, #tpu.memory_space<hbm>>
      %dma_wait3A_614 = tpu.memref_squeeze %dma_wait3A_613 : memref<1x64xf32, #tpu.memory_space<hbm>> -> memref<64xf32, #tpu.memory_space<hbm>>
      tpu.wait_dma2 semaphore(%arg7 : memref<!tpu.dma_semaphore, #tpu.memory_space<semaphore_mem>>) src(%dma_wait3A_614 : memref<64xf32, #tpu.memory_space<hbm>>) dst(%dma_wait3A_611 : memref<64xf32, #tpu.memory_space<vmem>>)
      %add3A_615 = arith.constant 6 : i32
      %add3A_616 = arith.addi %mul3A_524, %add3A_615 : i32
      %dma_wait3A_617 = arith.constant 0 : i32
      %dma_wait3A_618 = arith.constant 0 : i32
      %dma_wait3A_619 = tpu.memref_slice %arg6[%add3A_616, %dma_wait3A_618] : memref<512x64xf32, #tpu.memory_space<vmem>> -> memref<1x64xf32, #tpu.memory_space<vmem>>
      %dma_wait3A_620 = tpu.memref_squeeze %dma_wait3A_619 : memref<1x64xf32, #tpu.memory_space<vmem>> -> memref<64xf32, #tpu.memory_space<vmem>>
      %dma_wait3A_621 = arith.constant 0 : i32
      %dma_wait3A_622 = tpu.memref_slice %arg2[%dma_wait3A_617, %dma_wait3A_621] : memref<1000000x64xf32, #tpu.memory_space<hbm>> -> memref<1x64xf32, #tpu.memory_space<hbm>>
      %dma_wait3A_623 = tpu.memref_squeeze %dma_wait3A_622 : memref<1x64xf32, #tpu.memory_space<hbm>> -> memref<64xf32, #tpu.memory_space<hbm>>
      %dma_wait3A_624 = arith.constant 0 : i32
      %dma_wait3A_625 = tpu.memref_slice %arg6[%add3A_616, %dma_wait3A_624] : memref<512x64xf32, #tpu.memory_space<vmem>> -> memref<1x64xf32, #tpu.memory_space<vmem>>
      %dma_wait3A_626 = tpu.memref_squeeze %dma_wait3A_625 : memref<1x64xf32, #tpu.memory_space<vmem>> -> memref<64xf32, #tpu.memory_space<vmem>>
      %dma_wait3A_627 = arith.constant 0 : i32
      %dma_wait3A_628 = tpu.memref_slice %arg2[%dma_wait3A_617, %dma_wait3A_627] : memref<1000000x64xf32, #tpu.memory_space<hbm>> -> memref<1x64xf32, #tpu.memory_space<hbm>>
      %dma_wait3A_629 = tpu.memref_squeeze %dma_wait3A_628 : memref<1x64xf32, #tpu.memory_space<hbm>> -> memref<64xf32, #tpu.memory_space<hbm>>
      tpu.wait_dma2 semaphore(%arg7 : memref<!tpu.dma_semaphore, #tpu.memory_space<semaphore_mem>>) src(%dma_wait3A_629 : memref<64xf32, #tpu.memory_space<hbm>>) dst(%dma_wait3A_626 : memref<64xf32, #tpu.memory_space<vmem>>)
      %add3A_630 = arith.constant 7 : i32
      %add3A_631 = arith.addi %mul3A_524, %add3A_630 : i32
      %dma_wait3A_632 = arith.constant 0 : i32
      %dma_wait3A_633 = arith.constant 0 : i32
      %dma_wait3A_634 = tpu.memref_slice %arg6[%add3A_631, %dma_wait3A_633] : memref<512x64xf32, #tpu.memory_space<vmem>> -> memref<1x64xf32, #tpu.memory_space<vmem>>
      %dma_wait3A_635 = tpu.memref_squeeze %dma_wait3A_634 : memref<1x64xf32, #tpu.memory_space<vmem>> -> memref<64xf32, #tpu.memory_space<vmem>>
      %dma_wait3A_636 = arith.constant 0 : i32
      %dma_wait3A_637 = tpu.memref_slice %arg2[%dma_wait3A_632, %dma_wait3A_636] : memref<1000000x64xf32, #tpu.memory_space<hbm>> -> memref<1x64xf32, #tpu.memory_space<hbm>>
      %dma_wait3A_638 = tpu.memref_squeeze %dma_wait3A_637 : memref<1x64xf32, #tpu.memory_space<hbm>> -> memref<64xf32, #tpu.memory_space<hbm>>
      %dma_wait3A_639 = arith.constant 0 : i32
      %dma_wait3A_640 = tpu.memref_slice %arg6[%add3A_631, %dma_wait3A_639] : memref<512x64xf32, #tpu.memory_space<vmem>> -> memref<1x64xf32, #tpu.memory_space<vmem>>
      %dma_wait3A_641 = tpu.memref_squeeze %dma_wait3A_640 : memref<1x64xf32, #tpu.memory_space<vmem>> -> memref<64xf32, #tpu.memory_space<vmem>>
      %dma_wait3A_642 = arith.constant 0 : i32
      %dma_wait3A_643 = tpu.memref_slice %arg2[%dma_wait3A_632, %dma_wait3A_642] : memref<1000000x64xf32, #tpu.memory_space<hbm>> -> memref<1x64xf32, #tpu.memory_space<hbm>>
      %dma_wait3A_644 = tpu.memref_squeeze %dma_wait3A_643 : memref<1x64xf32, #tpu.memory_space<hbm>> -> memref<64xf32, #tpu.memory_space<hbm>>
      tpu.wait_dma2 semaphore(%arg7 : memref<!tpu.dma_semaphore, #tpu.memory_space<semaphore_mem>>) src(%dma_wait3A_644 : memref<64xf32, #tpu.memory_space<hbm>>) dst(%dma_wait3A_641 : memref<64xf32, #tpu.memory_space<vmem>>)
      %add3A_645 = arith.constant 8 : i32
      %add3A_646 = arith.addi %mul3A_524, %add3A_645 : i32
      %dma_wait3A_647 = arith.constant 0 : i32
      %dma_wait3A_648 = arith.constant 0 : i32
      %dma_wait3A_649 = tpu.memref_slice %arg6[%add3A_646, %dma_wait3A_648] : memref<512x64xf32, #tpu.memory_space<vmem>> -> memref<1x64xf32, #tpu.memory_space<vmem>>
      %dma_wait3A_650 = tpu.memref_squeeze %dma_wait3A_649 : memref<1x64xf32, #tpu.memory_space<vmem>> -> memref<64xf32, #tpu.memory_space<vmem>>
      %dma_wait3A_651 = arith.constant 0 : i32
      %dma_wait3A_652 = tpu.memref_slice %arg2[%dma_wait3A_647, %dma_wait3A_651] : memref<1000000x64xf32, #tpu.memory_space<hbm>> -> memref<1x64xf32, #tpu.memory_space<hbm>>
      %dma_wait3A_653 = tpu.memref_squeeze %dma_wait3A_652 : memref<1x64xf32, #tpu.memory_space<hbm>> -> memref<64xf32, #tpu.memory_space<hbm>>
      %dma_wait3A_654 = arith.constant 0 : i32
      %dma_wait3A_655 = tpu.memref_slice %arg6[%add3A_646, %dma_wait3A_654] : memref<512x64xf32, #tpu.memory_space<vmem>> -> memref<1x64xf32, #tpu.memory_space<vmem>>
      %dma_wait3A_656 = tpu.memref_squeeze %dma_wait3A_655 : memref<1x64xf32, #tpu.memory_space<vmem>> -> memref<64xf32, #tpu.memory_space<vmem>>
      %dma_wait3A_657 = arith.constant 0 : i32
      %dma_wait3A_658 = tpu.memref_slice %arg2[%dma_wait3A_647, %dma_wait3A_657] : memref<1000000x64xf32, #tpu.memory_space<hbm>> -> memref<1x64xf32, #tpu.memory_space<hbm>>
      %dma_wait3A_659 = tpu.memref_squeeze %dma_wait3A_658 : memref<1x64xf32, #tpu.memory_space<hbm>> -> memref<64xf32, #tpu.memory_space<hbm>>
      tpu.wait_dma2 semaphore(%arg7 : memref<!tpu.dma_semaphore, #tpu.memory_space<semaphore_mem>>) src(%dma_wait3A_659 : memref<64xf32, #tpu.memory_space<hbm>>) dst(%dma_wait3A_656 : memref<64xf32, #tpu.memory_space<vmem>>)
      %add3A_660 = arith.constant 9 : i32
      %add3A_661 = arith.addi %mul3A_524, %add3A_660 : i32
      %dma_wait3A_662 = arith.constant 0 : i32
      %dma_wait3A_663 = arith.constant 0 : i32
      %dma_wait3A_664 = tpu.memref_slice %arg6[%add3A_661, %dma_wait3A_663] : memref<512x64xf32, #tpu.memory_space<vmem>> -> memref<1x64xf32, #tpu.memory_space<vmem>>
      %dma_wait3A_665 = tpu.memref_squeeze %dma_wait3A_664 : memref<1x64xf32, #tpu.memory_space<vmem>> -> memref<64xf32, #tpu.memory_space<vmem>>
      %dma_wait3A_666 = arith.constant 0 : i32
      %dma_wait3A_667 = tpu.memref_slice %arg2[%dma_wait3A_662, %dma_wait3A_666] : memref<1000000x64xf32, #tpu.memory_space<hbm>> -> memref<1x64xf32, #tpu.memory_space<hbm>>
      %dma_wait3A_668 = tpu.memref_squeeze %dma_wait3A_667 : memref<1x64xf32, #tpu.memory_space<hbm>> -> memref<64xf32, #tpu.memory_space<hbm>>
      %dma_wait3A_669 = arith.constant 0 : i32
      %dma_wait3A_670 = tpu.memref_slice %arg6[%add3A_661, %dma_wait3A_669] : memref<512x64xf32, #tpu.memory_space<vmem>> -> memref<1x64xf32, #tpu.memory_space<vmem>>
      %dma_wait3A_671 = tpu.memref_squeeze %dma_wait3A_670 : memref<1x64xf32, #tpu.memory_space<vmem>> -> memref<64xf32, #tpu.memory_space<vmem>>
      %dma_wait3A_672 = arith.constant 0 : i32
      %dma_wait3A_673 = tpu.memref_slice %arg2[%dma_wait3A_662, %dma_wait3A_672] : memref<1000000x64xf32, #tpu.memory_space<hbm>> -> memref<1x64xf32, #tpu.memory_space<hbm>>
      %dma_wait3A_674 = tpu.memref_squeeze %dma_wait3A_673 : memref<1x64xf32, #tpu.memory_space<hbm>> -> memref<64xf32, #tpu.memory_space<hbm>>
      tpu.wait_dma2 semaphore(%arg7 : memref<!tpu.dma_semaphore, #tpu.memory_space<semaphore_mem>>) src(%dma_wait3A_674 : memref<64xf32, #tpu.memory_space<hbm>>) dst(%dma_wait3A_671 : memref<64xf32, #tpu.memory_space<vmem>>)
      %add3A_675 = arith.constant 10 : i32
      %add3A_676 = arith.addi %mul3A_524, %add3A_675 : i32
      %dma_wait3A_677 = arith.constant 0 : i32
      %dma_wait3A_678 = arith.constant 0 : i32
      %dma_wait3A_679 = tpu.memref_slice %arg6[%add3A_676, %dma_wait3A_678] : memref<512x64xf32, #tpu.memory_space<vmem>> -> memref<1x64xf32, #tpu.memory_space<vmem>>
      %dma_wait3A_680 = tpu.memref_squeeze %dma_wait3A_679 : memref<1x64xf32, #tpu.memory_space<vmem>> -> memref<64xf32, #tpu.memory_space<vmem>>
      %dma_wait3A_681 = arith.constant 0 : i32
      %dma_wait3A_682 = tpu.memref_slice %arg2[%dma_wait3A_677, %dma_wait3A_681] : memref<1000000x64xf32, #tpu.memory_space<hbm>> -> memref<1x64xf32, #tpu.memory_space<hbm>>
      %dma_wait3A_683 = tpu.memref_squeeze %dma_wait3A_682 : memref<1x64xf32, #tpu.memory_space<hbm>> -> memref<64xf32, #tpu.memory_space<hbm>>
      %dma_wait3A_684 = arith.constant 0 : i32
      %dma_wait3A_685 = tpu.memref_slice %arg6[%add3A_676, %dma_wait3A_684] : memref<512x64xf32, #tpu.memory_space<vmem>> -> memref<1x64xf32, #tpu.memory_space<vmem>>
      %dma_wait3A_686 = tpu.memref_squeeze %dma_wait3A_685 : memref<1x64xf32, #tpu.memory_space<vmem>> -> memref<64xf32, #tpu.memory_space<vmem>>
      %dma_wait3A_687 = arith.constant 0 : i32
      %dma_wait3A_688 = tpu.memref_slice %arg2[%dma_wait3A_677, %dma_wait3A_687] : memref<1000000x64xf32, #tpu.memory_space<hbm>> -> memref<1x64xf32, #tpu.memory_space<hbm>>
      %dma_wait3A_689 = tpu.memref_squeeze %dma_wait3A_688 : memref<1x64xf32, #tpu.memory_space<hbm>> -> memref<64xf32, #tpu.memory_space<hbm>>
      tpu.wait_dma2 semaphore(%arg7 : memref<!tpu.dma_semaphore, #tpu.memory_space<semaphore_mem>>) src(%dma_wait3A_689 : memref<64xf32, #tpu.memory_space<hbm>>) dst(%dma_wait3A_686 : memref<64xf32, #tpu.memory_space<vmem>>)
      %add3A_690 = arith.constant 11 : i32
      %add3A_691 = arith.addi %mul3A_524, %add3A_690 : i32
      %dma_wait3A_692 = arith.constant 0 : i32
      %dma_wait3A_693 = arith.constant 0 : i32
      %dma_wait3A_694 = tpu.memref_slice %arg6[%add3A_691, %dma_wait3A_693] : memref<512x64xf32, #tpu.memory_space<vmem>> -> memref<1x64xf32, #tpu.memory_space<vmem>>
      %dma_wait3A_695 = tpu.memref_squeeze %dma_wait3A_694 : memref<1x64xf32, #tpu.memory_space<vmem>> -> memref<64xf32, #tpu.memory_space<vmem>>
      %dma_wait3A_696 = arith.constant 0 : i32
      %dma_wait3A_697 = tpu.memref_slice %arg2[%dma_wait3A_692, %dma_wait3A_696] : memref<1000000x64xf32, #tpu.memory_space<hbm>> -> memref<1x64xf32, #tpu.memory_space<hbm>>
      %dma_wait3A_698 = tpu.memref_squeeze %dma_wait3A_697 : memref<1x64xf32, #tpu.memory_space<hbm>> -> memref<64xf32, #tpu.memory_space<hbm>>
      %dma_wait3A_699 = arith.constant 0 : i32
      %dma_wait3A_700 = tpu.memref_slice %arg6[%add3A_691, %dma_wait3A_699] : memref<512x64xf32, #tpu.memory_space<vmem>> -> memref<1x64xf32, #tpu.memory_space<vmem>>
      %dma_wait3A_701 = tpu.memref_squeeze %dma_wait3A_700 : memref<1x64xf32, #tpu.memory_space<vmem>> -> memref<64xf32, #tpu.memory_space<vmem>>
      %dma_wait3A_702 = arith.constant 0 : i32
      %dma_wait3A_703 = tpu.memref_slice %arg2[%dma_wait3A_692, %dma_wait3A_702] : memref<1000000x64xf32, #tpu.memory_space<hbm>> -> memref<1x64xf32, #tpu.memory_space<hbm>>
      %dma_wait3A_704 = tpu.memref_squeeze %dma_wait3A_703 : memref<1x64xf32, #tpu.memory_space<hbm>> -> memref<64xf32, #tpu.memory_space<hbm>>
      tpu.wait_dma2 semaphore(%arg7 : memref<!tpu.dma_semaphore, #tpu.memory_space<semaphore_mem>>) src(%dma_wait3A_704 : memref<64xf32, #tpu.memory_space<hbm>>) dst(%dma_wait3A_701 : memref<64xf32, #tpu.memory_space<vmem>>)
      %add3A_705 = arith.constant 12 : i32
      %add3A_706 = arith.addi %mul3A_524, %add3A_705 : i32
      %dma_wait3A_707 = arith.constant 0 : i32
      %dma_wait3A_708 = arith.constant 0 : i32
      %dma_wait3A_709 = tpu.memref_slice %arg6[%add3A_706, %dma_wait3A_708] : memref<512x64xf32, #tpu.memory_space<vmem>> -> memref<1x64xf32, #tpu.memory_space<vmem>>
      %dma_wait3A_710 = tpu.memref_squeeze %dma_wait3A_709 : memref<1x64xf32, #tpu.memory_space<vmem>> -> memref<64xf32, #tpu.memory_space<vmem>>
      %dma_wait3A_711 = arith.constant 0 : i32
      %dma_wait3A_712 = tpu.memref_slice %arg2[%dma_wait3A_707, %dma_wait3A_711] : memref<1000000x64xf32, #tpu.memory_space<hbm>> -> memref<1x64xf32, #tpu.memory_space<hbm>>
      %dma_wait3A_713 = tpu.memref_squeeze %dma_wait3A_712 : memref<1x64xf32, #tpu.memory_space<hbm>> -> memref<64xf32, #tpu.memory_space<hbm>>
      %dma_wait3A_714 = arith.constant 0 : i32
      %dma_wait3A_715 = tpu.memref_slice %arg6[%add3A_706, %dma_wait3A_714] : memref<512x64xf32, #tpu.memory_space<vmem>> -> memref<1x64xf32, #tpu.memory_space<vmem>>
      %dma_wait3A_716 = tpu.memref_squeeze %dma_wait3A_715 : memref<1x64xf32, #tpu.memory_space<vmem>> -> memref<64xf32, #tpu.memory_space<vmem>>
      %dma_wait3A_717 = arith.constant 0 : i32
      %dma_wait3A_718 = tpu.memref_slice %arg2[%dma_wait3A_707, %dma_wait3A_717] : memref<1000000x64xf32, #tpu.memory_space<hbm>> -> memref<1x64xf32, #tpu.memory_space<hbm>>
      %dma_wait3A_719 = tpu.memref_squeeze %dma_wait3A_718 : memref<1x64xf32, #tpu.memory_space<hbm>> -> memref<64xf32, #tpu.memory_space<hbm>>
      tpu.wait_dma2 semaphore(%arg7 : memref<!tpu.dma_semaphore, #tpu.memory_space<semaphore_mem>>) src(%dma_wait3A_719 : memref<64xf32, #tpu.memory_space<hbm>>) dst(%dma_wait3A_716 : memref<64xf32, #tpu.memory_space<vmem>>)
      %add3A_720 = arith.constant 13 : i32
      %add3A_721 = arith.addi %mul3A_524, %add3A_720 : i32
      %dma_wait3A_722 = arith.constant 0 : i32
      %dma_wait3A_723 = arith.constant 0 : i32
      %dma_wait3A_724 = tpu.memref_slice %arg6[%add3A_721, %dma_wait3A_723] : memref<512x64xf32, #tpu.memory_space<vmem>> -> memref<1x64xf32, #tpu.memory_space<vmem>>
      %dma_wait3A_725 = tpu.memref_squeeze %dma_wait3A_724 : memref<1x64xf32, #tpu.memory_space<vmem>> -> memref<64xf32, #tpu.memory_space<vmem>>
      %dma_wait3A_726 = arith.constant 0 : i32
      %dma_wait3A_727 = tpu.memref_slice %arg2[%dma_wait3A_722, %dma_wait3A_726] : memref<1000000x64xf32, #tpu.memory_space<hbm>> -> memref<1x64xf32, #tpu.memory_space<hbm>>
      %dma_wait3A_728 = tpu.memref_squeeze %dma_wait3A_727 : memref<1x64xf32, #tpu.memory_space<hbm>> -> memref<64xf32, #tpu.memory_space<hbm>>
      %dma_wait3A_729 = arith.constant 0 : i32
      %dma_wait3A_730 = tpu.memref_slice %arg6[%add3A_721, %dma_wait3A_729] : memref<512x64xf32, #tpu.memory_space<vmem>> -> memref<1x64xf32, #tpu.memory_space<vmem>>
      %dma_wait3A_731 = tpu.memref_squeeze %dma_wait3A_730 : memref<1x64xf32, #tpu.memory_space<vmem>> -> memref<64xf32, #tpu.memory_space<vmem>>
      %dma_wait3A_732 = arith.constant 0 : i32
      %dma_wait3A_733 = tpu.memref_slice %arg2[%dma_wait3A_722, %dma_wait3A_732] : memref<1000000x64xf32, #tpu.memory_space<hbm>> -> memref<1x64xf32, #tpu.memory_space<hbm>>
      %dma_wait3A_734 = tpu.memref_squeeze %dma_wait3A_733 : memref<1x64xf32, #tpu.memory_space<hbm>> -> memref<64xf32, #tpu.memory_space<hbm>>
      tpu.wait_dma2 semaphore(%arg7 : memref<!tpu.dma_semaphore, #tpu.memory_space<semaphore_mem>>) src(%dma_wait3A_734 : memref<64xf32, #tpu.memory_space<hbm>>) dst(%dma_wait3A_731 : memref<64xf32, #tpu.memory_space<vmem>>)
      %add3A_735 = arith.constant 14 : i32
      %add3A_736 = arith.addi %mul3A_524, %add3A_735 : i32
      %dma_wait3A_737 = arith.constant 0 : i32
      %dma_wait3A_738 = arith.constant 0 : i32
      %dma_wait3A_739 = tpu.memref_slice %arg6[%add3A_736, %dma_wait3A_738] : memref<512x64xf32, #tpu.memory_space<vmem>> -> memref<1x64xf32, #tpu.memory_space<vmem>>
      %dma_wait3A_740 = tpu.memref_squeeze %dma_wait3A_739 : memref<1x64xf32, #tpu.memory_space<vmem>> -> memref<64xf32, #tpu.memory_space<vmem>>
      %dma_wait3A_741 = arith.constant 0 : i32
      %dma_wait3A_742 = tpu.memref_slice %arg2[%dma_wait3A_737, %dma_wait3A_741] : memref<1000000x64xf32, #tpu.memory_space<hbm>> -> memref<1x64xf32, #tpu.memory_space<hbm>>
      %dma_wait3A_743 = tpu.memref_squeeze %dma_wait3A_742 : memref<1x64xf32, #tpu.memory_space<hbm>> -> memref<64xf32, #tpu.memory_space<hbm>>
      %dma_wait3A_744 = arith.constant 0 : i32
      %dma_wait3A_745 = tpu.memref_slice %arg6[%add3A_736, %dma_wait3A_744] : memref<512x64xf32, #tpu.memory_space<vmem>> -> memref<1x64xf32, #tpu.memory_space<vmem>>
      %dma_wait3A_746 = tpu.memref_squeeze %dma_wait3A_745 : memref<1x64xf32, #tpu.memory_space<vmem>> -> memref<64xf32, #tpu.memory_space<vmem>>
      %dma_wait3A_747 = arith.constant 0 : i32
      %dma_wait3A_748 = tpu.memref_slice %arg2[%dma_wait3A_737, %dma_wait3A_747] : memref<1000000x64xf32, #tpu.memory_space<hbm>> -> memref<1x64xf32, #tpu.memory_space<hbm>>
      %dma_wait3A_749 = tpu.memref_squeeze %dma_wait3A_748 : memref<1x64xf32, #tpu.memory_space<hbm>> -> memref<64xf32, #tpu.memory_space<hbm>>
      tpu.wait_dma2 semaphore(%arg7 : memref<!tpu.dma_semaphore, #tpu.memory_space<semaphore_mem>>) src(%dma_wait3A_749 : memref<64xf32, #tpu.memory_space<hbm>>) dst(%dma_wait3A_746 : memref<64xf32, #tpu.memory_space<vmem>>)
      %add3A_750 = arith.constant 15 : i32
      %add3A_751 = arith.addi %mul3A_524, %add3A_750 : i32
      %dma_wait3A_752 = arith.constant 0 : i32
      %dma_wait3A_753 = arith.constant 0 : i32
      %dma_wait3A_754 = tpu.memref_slice %arg6[%add3A_751, %dma_wait3A_753] : memref<512x64xf32, #tpu.memory_space<vmem>> -> memref<1x64xf32, #tpu.memory_space<vmem>>
      %dma_wait3A_755 = tpu.memref_squeeze %dma_wait3A_754 : memref<1x64xf32, #tpu.memory_space<vmem>> -> memref<64xf32, #tpu.memory_space<vmem>>
      %dma_wait3A_756 = arith.constant 0 : i32
      %dma_wait3A_757 = tpu.memref_slice %arg2[%dma_wait3A_752, %dma_wait3A_756] : memref<1000000x64xf32, #tpu.memory_space<hbm>> -> memref<1x64xf32, #tpu.memory_space<hbm>>
      %dma_wait3A_758 = tpu.memref_squeeze %dma_wait3A_757 : memref<1x64xf32, #tpu.memory_space<hbm>> -> memref<64xf32, #tpu.memory_space<hbm>>
      %dma_wait3A_759 = arith.constant 0 : i32
      %dma_wait3A_760 = tpu.memref_slice %arg6[%add3A_751, %dma_wait3A_759] : memref<512x64xf32, #tpu.memory_space<vmem>> -> memref<1x64xf32, #tpu.memory_space<vmem>>
      %dma_wait3A_761 = tpu.memref_squeeze %dma_wait3A_760 : memref<1x64xf32, #tpu.memory_space<vmem>> -> memref<64xf32, #tpu.memory_space<vmem>>
      %dma_wait3A_762 = arith.constant 0 : i32
      %dma_wait3A_763 = tpu.memref_slice %arg2[%dma_wait3A_752, %dma_wait3A_762] : memref<1000000x64xf32, #tpu.memory_space<hbm>> -> memref<1x64xf32, #tpu.memory_space<hbm>>
      %dma_wait3A_764 = tpu.memref_squeeze %dma_wait3A_763 : memref<1x64xf32, #tpu.memory_space<hbm>> -> memref<64xf32, #tpu.memory_space<hbm>>
      tpu.wait_dma2 semaphore(%arg7 : memref<!tpu.dma_semaphore, #tpu.memory_space<semaphore_mem>>) src(%dma_wait3A_764 : memref<64xf32, #tpu.memory_space<hbm>>) dst(%dma_wait3A_761 : memref<64xf32, #tpu.memory_space<vmem>>)
      %add3A_765 = arith.constant 2 : i32
      %add3A_766 = arith.addi %mul3A_259, %add3A_765 : i32
      %lt3A = arith.constant 32 : i32
      %lt3A_767 = arith.cmpi slt, %add3A_766, %lt3A : i32
      %convert_element_type3A = arith.extui %lt3A_767 : i1 to i32
      %cond3A = arith.constant 0 : i32
      %cond3A_768 = arith.cmpi ne, %convert_element_type3A, %cond3A : i32
      scf.if %cond3A_768 {
        %add3A_1013 = arith.constant 2 : i32
        %add3A_1014 = arith.addi %mul3A_259, %add3A_1013 : i32
        %mul3A_1015 = arith.constant 16 : i32
        %mul3A_1016 = arith.muli %add3A_1014, %mul3A_1015 : i32
        %get3A_1017 = arith.index_cast %mul3A_1016 : i32 to index
        %get3A_1018 = tpu.vector_load %arg5[%get3A_1017] {strides = array<i32>} : memref<512xi32, #tpu.memory_space<vmem>>, vector<16xi32>,
        %get3A_1019 = vector.shape_cast %get3A_1018 : vector<16xi32> to vector<16xi32>
        %slice3A_1020 = vector.extract_strided_slice %get3A_1019 {offsets = [0], sizes = [1], strides = [1]} : vector<16xi32> to vector<1xi32>
        %squeeze3A_1021 = vector.extract %slice3A_1020[0] : i32 from vector<1xi32>
        %add3A_1022 = arith.constant 0 : i32
        %add3A_1023 = arith.addi %mul3A_1016, %add3A_1022 : i32
        %dma_start3A_1024 = arith.constant 0 : i32
        %dma_start3A_1025 = tpu.memref_slice %arg6[%add3A_1023, %dma_start3A_1024] : memref<512x64xf32, #tpu.memory_space<vmem>> -> memref<1x64xf32, #tpu.memory_space<vmem>>
        %dma_start3A_1026 = tpu.memref_squeeze %dma_start3A_1025 : memref<1x64xf32, #tpu.memory_space<vmem>> -> memref<64xf32, #tpu.memory_space<vmem>>
        %dma_start3A_1027 = arith.constant 0 : i32
        %dma_start3A_1028 = tpu.memref_slice %arg2[%squeeze3A_1021, %dma_start3A_1027] : memref<1000000x64xf32, #tpu.memory_space<hbm>> -> memref<1x64xf32, #tpu.memory_space<hbm>>
        %dma_start3A_1029 = tpu.memref_squeeze %dma_start3A_1028 : memref<1x64xf32, #tpu.memory_space<hbm>> -> memref<64xf32, #tpu.memory_space<hbm>>
        %dma_start3A_1030 = arith.constant 0 : i32
        %dma_start3A_1031 = tpu.memref_slice %arg6[%add3A_1023, %dma_start3A_1030] : memref<512x64xf32, #tpu.memory_space<vmem>> -> memref<1x64xf32, #tpu.memory_space<vmem>>
        %dma_start3A_1032 = tpu.memref_squeeze %dma_start3A_1031 : memref<1x64xf32, #tpu.memory_space<vmem>> -> memref<64xf32, #tpu.memory_space<vmem>>
        %dma_start3A_1033 = arith.constant 0 : i32
        %dma_start3A_1034 = tpu.memref_slice %arg2[%squeeze3A_1021, %dma_start3A_1033] : memref<1000000x64xf32, #tpu.memory_space<hbm>> -> memref<1x64xf32, #tpu.memory_space<hbm>>
        %dma_start3A_1035 = tpu.memref_squeeze %dma_start3A_1034 : memref<1x64xf32, #tpu.memory_space<hbm>> -> memref<64xf32, #tpu.memory_space<hbm>>
        tpu.enqueue_dma source(%dma_start3A_1035 : memref<64xf32, #tpu.memory_space<hbm>>) target(%dma_start3A_1032 : memref<64xf32, #tpu.memory_space<vmem>>) target_semaphore(%arg7 : memref<!tpu.dma_semaphore, #tpu.memory_space<semaphore_mem>>)
        %slice3A_1036 = vector.extract_strided_slice %get3A_1019 {offsets = [1], sizes = [1], strides = [1]} : vector<16xi32> to vector<1xi32>
        %squeeze3A_1037 = vector.extract %slice3A_1036[0] : i32 from vector<1xi32>
        %add3A_1038 = arith.constant 1 : i32
        %add3A_1039 = arith.addi %mul3A_1016, %add3A_1038 : i32
        %dma_start3A_1040 = arith.constant 0 : i32
        %dma_start3A_1041 = tpu.memref_slice %arg6[%add3A_1039, %dma_start3A_1040] : memref<512x64xf32, #tpu.memory_space<vmem>> -> memref<1x64xf32, #tpu.memory_space<vmem>>
        %dma_start3A_1042 = tpu.memref_squeeze %dma_start3A_1041 : memref<1x64xf32, #tpu.memory_space<vmem>> -> memref<64xf32, #tpu.memory_space<vmem>>
        %dma_start3A_1043 = arith.constant 0 : i32
        %dma_start3A_1044 = tpu.memref_slice %arg2[%squeeze3A_1037, %dma_start3A_1043] : memref<1000000x64xf32, #tpu.memory_space<hbm>> -> memref<1x64xf32, #tpu.memory_space<hbm>>
        %dma_start3A_1045 = tpu.memref_squeeze %dma_start3A_1044 : memref<1x64xf32, #tpu.memory_space<hbm>> -> memref<64xf32, #tpu.memory_space<hbm>>
        %dma_start3A_1046 = arith.constant 0 : i32
        %dma_start3A_1047 = tpu.memref_slice %arg6[%add3A_1039, %dma_start3A_1046] : memref<512x64xf32, #tpu.memory_space<vmem>> -> memref<1x64xf32, #tpu.memory_space<vmem>>
        %dma_start3A_1048 = tpu.memref_squeeze %dma_start3A_1047 : memref<1x64xf32, #tpu.memory_space<vmem>> -> memref<64xf32, #tpu.memory_space<vmem>>
        %dma_start3A_1049 = arith.constant 0 : i32
        %dma_start3A_1050 = tpu.memref_slice %arg2[%squeeze3A_1037, %dma_start3A_1049] : memref<1000000x64xf32, #tpu.memory_space<hbm>> -> memref<1x64xf32, #tpu.memory_space<hbm>>
        %dma_start3A_1051 = tpu.memref_squeeze %dma_start3A_1050 : memref<1x64xf32, #tpu.memory_space<hbm>> -> memref<64xf32, #tpu.memory_space<hbm>>
        tpu.enqueue_dma source(%dma_start3A_1051 : memref<64xf32, #tpu.memory_space<hbm>>) target(%dma_start3A_1048 : memref<64xf32, #tpu.memory_space<vmem>>) target_semaphore(%arg7 : memref<!tpu.dma_semaphore, #tpu.memory_space<semaphore_mem>>)
        %slice3A_1052 = vector.extract_strided_slice %get3A_1019 {offsets = [2], sizes = [1], strides = [1]} : vector<16xi32> to vector<1xi32>
        %squeeze3A_1053 = vector.extract %slice3A_1052[0] : i32 from vector<1xi32>
        %add3A_1054 = arith.constant 2 : i32
        %add3A_1055 = arith.addi %mul3A_1016, %add3A_1054 : i32
        %dma_start3A_1056 = arith.constant 0 : i32
        %dma_start3A_1057 = tpu.memref_slice %arg6[%add3A_1055, %dma_start3A_1056] : memref<512x64xf32, #tpu.memory_space<vmem>> -> memref<1x64xf32, #tpu.memory_space<vmem>>
        %dma_start3A_1058 = tpu.memref_squeeze %dma_start3A_1057 : memref<1x64xf32, #tpu.memory_space<vmem>> -> memref<64xf32, #tpu.memory_space<vmem>>
        %dma_start3A_1059 = arith.constant 0 : i32
        %dma_start3A_1060 = tpu.memref_slice %arg2[%squeeze3A_1053, %dma_start3A_1059] : memref<1000000x64xf32, #tpu.memory_space<hbm>> -> memref<1x64xf32, #tpu.memory_space<hbm>>
        %dma_start3A_1061 = tpu.memref_squeeze %dma_start3A_1060 : memref<1x64xf32, #tpu.memory_space<hbm>> -> memref<64xf32, #tpu.memory_space<hbm>>
        %dma_start3A_1062 = arith.constant 0 : i32
        %dma_start3A_1063 = tpu.memref_slice %arg6[%add3A_1055, %dma_start3A_1062] : memref<512x64xf32, #tpu.memory_space<vmem>> -> memref<1x64xf32, #tpu.memory_space<vmem>>
        %dma_start3A_1064 = tpu.memref_squeeze %dma_start3A_1063 : memref<1x64xf32, #tpu.memory_space<vmem>> -> memref<64xf32, #tpu.memory_space<vmem>>
        %dma_start3A_1065 = arith.constant 0 : i32
        %dma_start3A_1066 = tpu.memref_slice %arg2[%squeeze3A_1053, %dma_start3A_1065] : memref<1000000x64xf32, #tpu.memory_space<hbm>> -> memref<1x64xf32, #tpu.memory_space<hbm>>
        %dma_start3A_1067 = tpu.memref_squeeze %dma_start3A_1066 : memref<1x64xf32, #tpu.memory_space<hbm>> -> memref<64xf32, #tpu.memory_space<hbm>>
        tpu.enqueue_dma source(%dma_start3A_1067 : memref<64xf32, #tpu.memory_space<hbm>>) target(%dma_start3A_1064 : memref<64xf32, #tpu.memory_space<vmem>>) target_semaphore(%arg7 : memref<!tpu.dma_semaphore, #tpu.memory_space<semaphore_mem>>)
        %slice3A_1068 = vector.extract_strided_slice %get3A_1019 {offsets = [3], sizes = [1], strides = [1]} : vector<16xi32> to vector<1xi32>
        %squeeze3A_1069 = vector.extract %slice3A_1068[0] : i32 from vector<1xi32>
        %add3A_1070 = arith.constant 3 : i32
        %add3A_1071 = arith.addi %mul3A_1016, %add3A_1070 : i32
        %dma_start3A_1072 = arith.constant 0 : i32
        %dma_start3A_1073 = tpu.memref_slice %arg6[%add3A_1071, %dma_start3A_1072] : memref<512x64xf32, #tpu.memory_space<vmem>> -> memref<1x64xf32, #tpu.memory_space<vmem>>
        %dma_start3A_1074 = tpu.memref_squeeze %dma_start3A_1073 : memref<1x64xf32, #tpu.memory_space<vmem>> -> memref<64xf32, #tpu.memory_space<vmem>>
        %dma_start3A_1075 = arith.constant 0 : i32
        %dma_start3A_1076 = tpu.memref_slice %arg2[%squeeze3A_1069, %dma_start3A_1075] : memref<1000000x64xf32, #tpu.memory_space<hbm>> -> memref<1x64xf32, #tpu.memory_space<hbm>>
        %dma_start3A_1077 = tpu.memref_squeeze %dma_start3A_1076 : memref<1x64xf32, #tpu.memory_space<hbm>> -> memref<64xf32, #tpu.memory_space<hbm>>
        %dma_start3A_1078 = arith.constant 0 : i32
        %dma_start3A_1079 = tpu.memref_slice %arg6[%add3A_1071, %dma_start3A_1078] : memref<512x64xf32, #tpu.memory_space<vmem>> -> memref<1x64xf32, #tpu.memory_space<vmem>>
        %dma_start3A_1080 = tpu.memref_squeeze %dma_start3A_1079 : memref<1x64xf32, #tpu.memory_space<vmem>> -> memref<64xf32, #tpu.memory_space<vmem>>
        %dma_start3A_1081 = arith.constant 0 : i32
        %dma_start3A_1082 = tpu.memref_slice %arg2[%squeeze3A_1069, %dma_start3A_1081] : memref<1000000x64xf32, #tpu.memory_space<hbm>> -> memref<1x64xf32, #tpu.memory_space<hbm>>
        %dma_start3A_1083 = tpu.memref_squeeze %dma_start3A_1082 : memref<1x64xf32, #tpu.memory_space<hbm>> -> memref<64xf32, #tpu.memory_space<hbm>>
        tpu.enqueue_dma source(%dma_start3A_1083 : memref<64xf32, #tpu.memory_space<hbm>>) target(%dma_start3A_1080 : memref<64xf32, #tpu.memory_space<vmem>>) target_semaphore(%arg7 : memref<!tpu.dma_semaphore, #tpu.memory_space<semaphore_mem>>)
        %slice3A_1084 = vector.extract_strided_slice %get3A_1019 {offsets = [4], sizes = [1], strides = [1]} : vector<16xi32> to vector<1xi32>
        %squeeze3A_1085 = vector.extract %slice3A_1084[0] : i32 from vector<1xi32>
        %add3A_1086 = arith.constant 4 : i32
        %add3A_1087 = arith.addi %mul3A_1016, %add3A_1086 : i32
        %dma_start3A_1088 = arith.constant 0 : i32
        %dma_start3A_1089 = tpu.memref_slice %arg6[%add3A_1087, %dma_start3A_1088] : memref<512x64xf32, #tpu.memory_space<vmem>> -> memref<1x64xf32, #tpu.memory_space<vmem>>
        %dma_start3A_1090 = tpu.memref_squeeze %dma_start3A_1089 : memref<1x64xf32, #tpu.memory_space<vmem>> -> memref<64xf32, #tpu.memory_space<vmem>>
        %dma_start3A_1091 = arith.constant 0 : i32
        %dma_start3A_1092 = tpu.memref_slice %arg2[%squeeze3A_1085, %dma_start3A_1091] : memref<1000000x64xf32, #tpu.memory_space<hbm>> -> memref<1x64xf32, #tpu.memory_space<hbm>>
        %dma_start3A_1093 = tpu.memref_squeeze %dma_start3A_1092 : memref<1x64xf32, #tpu.memory_space<hbm>> -> memref<64xf32, #tpu.memory_space<hbm>>
        %dma_start3A_1094 = arith.constant 0 : i32
        %dma_start3A_1095 = tpu.memref_slice %arg6[%add3A_1087, %dma_start3A_1094] : memref<512x64xf32, #tpu.memory_space<vmem>> -> memref<1x64xf32, #tpu.memory_space<vmem>>
        %dma_start3A_1096 = tpu.memref_squeeze %dma_start3A_1095 : memref<1x64xf32, #tpu.memory_space<vmem>> -> memref<64xf32, #tpu.memory_space<vmem>>
        %dma_start3A_1097 = arith.constant 0 : i32
        %dma_start3A_1098 = tpu.memref_slice %arg2[%squeeze3A_1085, %dma_start3A_1097] : memref<1000000x64xf32, #tpu.memory_space<hbm>> -> memref<1x64xf32, #tpu.memory_space<hbm>>
        %dma_start3A_1099 = tpu.memref_squeeze %dma_start3A_1098 : memref<1x64xf32, #tpu.memory_space<hbm>> -> memref<64xf32, #tpu.memory_space<hbm>>
        tpu.enqueue_dma source(%dma_start3A_1099 : memref<64xf32, #tpu.memory_space<hbm>>) target(%dma_start3A_1096 : memref<64xf32, #tpu.memory_space<vmem>>) target_semaphore(%arg7 : memref<!tpu.dma_semaphore, #tpu.memory_space<semaphore_mem>>)
        %slice3A_1100 = vector.extract_strided_slice %get3A_1019 {offsets = [5], sizes = [1], strides = [1]} : vector<16xi32> to vector<1xi32>
        %squeeze3A_1101 = vector.extract %slice3A_1100[0] : i32 from vector<1xi32>
        %add3A_1102 = arith.constant 5 : i32
        %add3A_1103 = arith.addi %mul3A_1016, %add3A_1102 : i32
        %dma_start3A_1104 = arith.constant 0 : i32
        %dma_start3A_1105 = tpu.memref_slice %arg6[%add3A_1103, %dma_start3A_1104] : memref<512x64xf32, #tpu.memory_space<vmem>> -> memref<1x64xf32, #tpu.memory_space<vmem>>
        %dma_start3A_1106 = tpu.memref_squeeze %dma_start3A_1105 : memref<1x64xf32, #tpu.memory_space<vmem>> -> memref<64xf32, #tpu.memory_space<vmem>>
        %dma_start3A_1107 = arith.constant 0 : i32
        %dma_start3A_1108 = tpu.memref_slice %arg2[%squeeze3A_1101, %dma_start3A_1107] : memref<1000000x64xf32, #tpu.memory_space<hbm>> -> memref<1x64xf32, #tpu.memory_space<hbm>>
        %dma_start3A_1109 = tpu.memref_squeeze %dma_start3A_1108 : memref<1x64xf32, #tpu.memory_space<hbm>> -> memref<64xf32, #tpu.memory_space<hbm>>
        %dma_start3A_1110 = arith.constant 0 : i32
        %dma_start3A_1111 = tpu.memref_slice %arg6[%add3A_1103, %dma_start3A_1110] : memref<512x64xf32, #tpu.memory_space<vmem>> -> memref<1x64xf32, #tpu.memory_space<vmem>>
        %dma_start3A_1112 = tpu.memref_squeeze %dma_start3A_1111 : memref<1x64xf32, #tpu.memory_space<vmem>> -> memref<64xf32, #tpu.memory_space<vmem>>
        %dma_start3A_1113 = arith.constant 0 : i32
        %dma_start3A_1114 = tpu.memref_slice %arg2[%squeeze3A_1101, %dma_start3A_1113] : memref<1000000x64xf32, #tpu.memory_space<hbm>> -> memref<1x64xf32, #tpu.memory_space<hbm>>
        %dma_start3A_1115 = tpu.memref_squeeze %dma_start3A_1114 : memref<1x64xf32, #tpu.memory_space<hbm>> -> memref<64xf32, #tpu.memory_space<hbm>>
        tpu.enqueue_dma source(%dma_start3A_1115 : memref<64xf32, #tpu.memory_space<hbm>>) target(%dma_start3A_1112 : memref<64xf32, #tpu.memory_space<vmem>>) target_semaphore(%arg7 : memref<!tpu.dma_semaphore, #tpu.memory_space<semaphore_mem>>)
        %slice3A_1116 = vector.extract_strided_slice %get3A_1019 {offsets = [6], sizes = [1], strides = [1]} : vector<16xi32> to vector<1xi32>
        %squeeze3A_1117 = vector.extract %slice3A_1116[0] : i32 from vector<1xi32>
        %add3A_1118 = arith.constant 6 : i32
        %add3A_1119 = arith.addi %mul3A_1016, %add3A_1118 : i32
        %dma_start3A_1120 = arith.constant 0 : i32
        %dma_start3A_1121 = tpu.memref_slice %arg6[%add3A_1119, %dma_start3A_1120] : memref<512x64xf32, #tpu.memory_space<vmem>> -> memref<1x64xf32, #tpu.memory_space<vmem>>
        %dma_start3A_1122 = tpu.memref_squeeze %dma_start3A_1121 : memref<1x64xf32, #tpu.memory_space<vmem>> -> memref<64xf32, #tpu.memory_space<vmem>>
        %dma_start3A_1123 = arith.constant 0 : i32
        %dma_start3A_1124 = tpu.memref_slice %arg2[%squeeze3A_1117, %dma_start3A_1123] : memref<1000000x64xf32, #tpu.memory_space<hbm>> -> memref<1x64xf32, #tpu.memory_space<hbm>>
        %dma_start3A_1125 = tpu.memref_squeeze %dma_start3A_1124 : memref<1x64xf32, #tpu.memory_space<hbm>> -> memref<64xf32, #tpu.memory_space<hbm>>
        %dma_start3A_1126 = arith.constant 0 : i32
        %dma_start3A_1127 = tpu.memref_slice %arg6[%add3A_1119, %dma_start3A_1126] : memref<512x64xf32, #tpu.memory_space<vmem>> -> memref<1x64xf32, #tpu.memory_space<vmem>>
        %dma_start3A_1128 = tpu.memref_squeeze %dma_start3A_1127 : memref<1x64xf32, #tpu.memory_space<vmem>> -> memref<64xf32, #tpu.memory_space<vmem>>
        %dma_start3A_1129 = arith.constant 0 : i32
        %dma_start3A_1130 = tpu.memref_slice %arg2[%squeeze3A_1117, %dma_start3A_1129] : memref<1000000x64xf32, #tpu.memory_space<hbm>> -> memref<1x64xf32, #tpu.memory_space<hbm>>
        %dma_start3A_1131 = tpu.memref_squeeze %dma_start3A_1130 : memref<1x64xf32, #tpu.memory_space<hbm>> -> memref<64xf32, #tpu.memory_space<hbm>>
        tpu.enqueue_dma source(%dma_start3A_1131 : memref<64xf32, #tpu.memory_space<hbm>>) target(%dma_start3A_1128 : memref<64xf32, #tpu.memory_space<vmem>>) target_semaphore(%arg7 : memref<!tpu.dma_semaphore, #tpu.memory_space<semaphore_mem>>)
        %slice3A_1132 = vector.extract_strided_slice %get3A_1019 {offsets = [7], sizes = [1], strides = [1]} : vector<16xi32> to vector<1xi32>
        %squeeze3A_1133 = vector.extract %slice3A_1132[0] : i32 from vector<1xi32>
        %add3A_1134 = arith.constant 7 : i32
        %add3A_1135 = arith.addi %mul3A_1016, %add3A_1134 : i32
        %dma_start3A_1136 = arith.constant 0 : i32
        %dma_start3A_1137 = tpu.memref_slice %arg6[%add3A_1135, %dma_start3A_1136] : memref<512x64xf32, #tpu.memory_space<vmem>> -> memref<1x64xf32, #tpu.memory_space<vmem>>
        %dma_start3A_1138 = tpu.memref_squeeze %dma_start3A_1137 : memref<1x64xf32, #tpu.memory_space<vmem>> -> memref<64xf32, #tpu.memory_space<vmem>>
        %dma_start3A_1139 = arith.constant 0 : i32
        %dma_start3A_1140 = tpu.memref_slice %arg2[%squeeze3A_1133, %dma_start3A_1139] : memref<1000000x64xf32, #tpu.memory_space<hbm>> -> memref<1x64xf32, #tpu.memory_space<hbm>>
        %dma_start3A_1141 = tpu.memref_squeeze %dma_start3A_1140 : memref<1x64xf32, #tpu.memory_space<hbm>> -> memref<64xf32, #tpu.memory_space<hbm>>
        %dma_start3A_1142 = arith.constant 0 : i32
        %dma_start3A_1143 = tpu.memref_slice %arg6[%add3A_1135, %dma_start3A_1142] : memref<512x64xf32, #tpu.memory_space<vmem>> -> memref<1x64xf32, #tpu.memory_space<vmem>>
        %dma_start3A_1144 = tpu.memref_squeeze %dma_start3A_1143 : memref<1x64xf32, #tpu.memory_space<vmem>> -> memref<64xf32, #tpu.memory_space<vmem>>
        %dma_start3A_1145 = arith.constant 0 : i32
        %dma_start3A_1146 = tpu.memref_slice %arg2[%squeeze3A_1133, %dma_start3A_1145] : memref<1000000x64xf32, #tpu.memory_space<hbm>> -> memref<1x64xf32, #tpu.memory_space<hbm>>
        %dma_start3A_1147 = tpu.memref_squeeze %dma_start3A_1146 : memref<1x64xf32, #tpu.memory_space<hbm>> -> memref<64xf32, #tpu.memory_space<hbm>>
        tpu.enqueue_dma source(%dma_start3A_1147 : memref<64xf32, #tpu.memory_space<hbm>>) target(%dma_start3A_1144 : memref<64xf32, #tpu.memory_space<vmem>>) target_semaphore(%arg7 : memref<!tpu.dma_semaphore, #tpu.memory_space<semaphore_mem>>)
        %slice3A_1148 = vector.extract_strided_slice %get3A_1019 {offsets = [8], sizes = [1], strides = [1]} : vector<16xi32> to vector<1xi32>
        %squeeze3A_1149 = vector.extract %slice3A_1148[0] : i32 from vector<1xi32>
        %add3A_1150 = arith.constant 8 : i32
        %add3A_1151 = arith.addi %mul3A_1016, %add3A_1150 : i32
        %dma_start3A_1152 = arith.constant 0 : i32
        %dma_start3A_1153 = tpu.memref_slice %arg6[%add3A_1151, %dma_start3A_1152] : memref<512x64xf32, #tpu.memory_space<vmem>> -> memref<1x64xf32, #tpu.memory_space<vmem>>
        %dma_start3A_1154 = tpu.memref_squeeze %dma_start3A_1153 : memref<1x64xf32, #tpu.memory_space<vmem>> -> memref<64xf32, #tpu.memory_space<vmem>>
        %dma_start3A_1155 = arith.constant 0 : i32
        %dma_start3A_1156 = tpu.memref_slice %arg2[%squeeze3A_1149, %dma_start3A_1155] : memref<1000000x64xf32, #tpu.memory_space<hbm>> -> memref<1x64xf32, #tpu.memory_space<hbm>>
        %dma_start3A_1157 = tpu.memref_squeeze %dma_start3A_1156 : memref<1x64xf32, #tpu.memory_space<hbm>> -> memref<64xf32, #tpu.memory_space<hbm>>
        %dma_start3A_1158 = arith.constant 0 : i32
        %dma_start3A_1159 = tpu.memref_slice %arg6[%add3A_1151, %dma_start3A_1158] : memref<512x64xf32, #tpu.memory_space<vmem>> -> memref<1x64xf32, #tpu.memory_space<vmem>>
        %dma_start3A_1160 = tpu.memref_squeeze %dma_start3A_1159 : memref<1x64xf32, #tpu.memory_space<vmem>> -> memref<64xf32, #tpu.memory_space<vmem>>
        %dma_start3A_1161 = arith.constant 0 : i32
        %dma_start3A_1162 = tpu.memref_slice %arg2[%squeeze3A_1149, %dma_start3A_1161] : memref<1000000x64xf32, #tpu.memory_space<hbm>> -> memref<1x64xf32, #tpu.memory_space<hbm>>
        %dma_start3A_1163 = tpu.memref_squeeze %dma_start3A_1162 : memref<1x64xf32, #tpu.memory_space<hbm>> -> memref<64xf32, #tpu.memory_space<hbm>>
        tpu.enqueue_dma source(%dma_start3A_1163 : memref<64xf32, #tpu.memory_space<hbm>>) target(%dma_start3A_1160 : memref<64xf32, #tpu.memory_space<vmem>>) target_semaphore(%arg7 : memref<!tpu.dma_semaphore, #tpu.memory_space<semaphore_mem>>)
        %slice3A_1164 = vector.extract_strided_slice %get3A_1019 {offsets = [9], sizes = [1], strides = [1]} : vector<16xi32> to vector<1xi32>
        %squeeze3A_1165 = vector.extract %slice3A_1164[0] : i32 from vector<1xi32>
        %add3A_1166 = arith.constant 9 : i32
        %add3A_1167 = arith.addi %mul3A_1016, %add3A_1166 : i32
        %dma_start3A_1168 = arith.constant 0 : i32
        %dma_start3A_1169 = tpu.memref_slice %arg6[%add3A_1167, %dma_start3A_1168] : memref<512x64xf32, #tpu.memory_space<vmem>> -> memref<1x64xf32, #tpu.memory_space<vmem>>
        %dma_start3A_1170 = tpu.memref_squeeze %dma_start3A_1169 : memref<1x64xf32, #tpu.memory_space<vmem>> -> memref<64xf32, #tpu.memory_space<vmem>>
        %dma_start3A_1171 = arith.constant 0 : i32
        %dma_start3A_1172 = tpu.memref_slice %arg2[%squeeze3A_1165, %dma_start3A_1171] : memref<1000000x64xf32, #tpu.memory_space<hbm>> -> memref<1x64xf32, #tpu.memory_space<hbm>>
        %dma_start3A_1173 = tpu.memref_squeeze %dma_start3A_1172 : memref<1x64xf32, #tpu.memory_space<hbm>> -> memref<64xf32, #tpu.memory_space<hbm>>
        %dma_start3A_1174 = arith.constant 0 : i32
        %dma_start3A_1175 = tpu.memref_slice %arg6[%add3A_1167, %dma_start3A_1174] : memref<512x64xf32, #tpu.memory_space<vmem>> -> memref<1x64xf32, #tpu.memory_space<vmem>>
        %dma_start3A_1176 = tpu.memref_squeeze %dma_start3A_1175 : memref<1x64xf32, #tpu.memory_space<vmem>> -> memref<64xf32, #tpu.memory_space<vmem>>
        %dma_start3A_1177 = arith.constant 0 : i32
        %dma_start3A_1178 = tpu.memref_slice %arg2[%squeeze3A_1165, %dma_start3A_1177] : memref<1000000x64xf32, #tpu.memory_space<hbm>> -> memref<1x64xf32, #tpu.memory_space<hbm>>
        %dma_start3A_1179 = tpu.memref_squeeze %dma_start3A_1178 : memref<1x64xf32, #tpu.memory_space<hbm>> -> memref<64xf32, #tpu.memory_space<hbm>>
        tpu.enqueue_dma source(%dma_start3A_1179 : memref<64xf32, #tpu.memory_space<hbm>>) target(%dma_start3A_1176 : memref<64xf32, #tpu.memory_space<vmem>>) target_semaphore(%arg7 : memref<!tpu.dma_semaphore, #tpu.memory_space<semaphore_mem>>)
        %slice3A_1180 = vector.extract_strided_slice %get3A_1019 {offsets = [10], sizes = [1], strides = [1]} : vector<16xi32> to vector<1xi32>
        %squeeze3A_1181 = vector.extract %slice3A_1180[0] : i32 from vector<1xi32>
        %add3A_1182 = arith.constant 10 : i32
        %add3A_1183 = arith.addi %mul3A_1016, %add3A_1182 : i32
        %dma_start3A_1184 = arith.constant 0 : i32
        %dma_start3A_1185 = tpu.memref_slice %arg6[%add3A_1183, %dma_start3A_1184] : memref<512x64xf32, #tpu.memory_space<vmem>> -> memref<1x64xf32, #tpu.memory_space<vmem>>
        %dma_start3A_1186 = tpu.memref_squeeze %dma_start3A_1185 : memref<1x64xf32, #tpu.memory_space<vmem>> -> memref<64xf32, #tpu.memory_space<vmem>>
        %dma_start3A_1187 = arith.constant 0 : i32
        %dma_start3A_1188 = tpu.memref_slice %arg2[%squeeze3A_1181, %dma_start3A_1187] : memref<1000000x64xf32, #tpu.memory_space<hbm>> -> memref<1x64xf32, #tpu.memory_space<hbm>>
        %dma_start3A_1189 = tpu.memref_squeeze %dma_start3A_1188 : memref<1x64xf32, #tpu.memory_space<hbm>> -> memref<64xf32, #tpu.memory_space<hbm>>
        %dma_start3A_1190 = arith.constant 0 : i32
        %dma_start3A_1191 = tpu.memref_slice %arg6[%add3A_1183, %dma_start3A_1190] : memref<512x64xf32, #tpu.memory_space<vmem>> -> memref<1x64xf32, #tpu.memory_space<vmem>>
        %dma_start3A_1192 = tpu.memref_squeeze %dma_start3A_1191 : memref<1x64xf32, #tpu.memory_space<vmem>> -> memref<64xf32, #tpu.memory_space<vmem>>
        %dma_start3A_1193 = arith.constant 0 : i32
        %dma_start3A_1194 = tpu.memref_slice %arg2[%squeeze3A_1181, %dma_start3A_1193] : memref<1000000x64xf32, #tpu.memory_space<hbm>> -> memref<1x64xf32, #tpu.memory_space<hbm>>
        %dma_start3A_1195 = tpu.memref_squeeze %dma_start3A_1194 : memref<1x64xf32, #tpu.memory_space<hbm>> -> memref<64xf32, #tpu.memory_space<hbm>>
        tpu.enqueue_dma source(%dma_start3A_1195 : memref<64xf32, #tpu.memory_space<hbm>>) target(%dma_start3A_1192 : memref<64xf32, #tpu.memory_space<vmem>>) target_semaphore(%arg7 : memref<!tpu.dma_semaphore, #tpu.memory_space<semaphore_mem>>)
        %slice3A_1196 = vector.extract_strided_slice %get3A_1019 {offsets = [11], sizes = [1], strides = [1]} : vector<16xi32> to vector<1xi32>
        %squeeze3A_1197 = vector.extract %slice3A_1196[0] : i32 from vector<1xi32>
        %add3A_1198 = arith.constant 11 : i32
        %add3A_1199 = arith.addi %mul3A_1016, %add3A_1198 : i32
        %dma_start3A_1200 = arith.constant 0 : i32
        %dma_start3A_1201 = tpu.memref_slice %arg6[%add3A_1199, %dma_start3A_1200] : memref<512x64xf32, #tpu.memory_space<vmem>> -> memref<1x64xf32, #tpu.memory_space<vmem>>
        %dma_start3A_1202 = tpu.memref_squeeze %dma_start3A_1201 : memref<1x64xf32, #tpu.memory_space<vmem>> -> memref<64xf32, #tpu.memory_space<vmem>>
        %dma_start3A_1203 = arith.constant 0 : i32
        %dma_start3A_1204 = tpu.memref_slice %arg2[%squeeze3A_1197, %dma_start3A_1203] : memref<1000000x64xf32, #tpu.memory_space<hbm>> -> memref<1x64xf32, #tpu.memory_space<hbm>>
        %dma_start3A_1205 = tpu.memref_squeeze %dma_start3A_1204 : memref<1x64xf32, #tpu.memory_space<hbm>> -> memref<64xf32, #tpu.memory_space<hbm>>
        %dma_start3A_1206 = arith.constant 0 : i32
        %dma_start3A_1207 = tpu.memref_slice %arg6[%add3A_1199, %dma_start3A_1206] : memref<512x64xf32, #tpu.memory_space<vmem>> -> memref<1x64xf32, #tpu.memory_space<vmem>>
        %dma_start3A_1208 = tpu.memref_squeeze %dma_start3A_1207 : memref<1x64xf32, #tpu.memory_space<vmem>> -> memref<64xf32, #tpu.memory_space<vmem>>
        %dma_start3A_1209 = arith.constant 0 : i32
        %dma_start3A_1210 = tpu.memref_slice %arg2[%squeeze3A_1197, %dma_start3A_1209] : memref<1000000x64xf32, #tpu.memory_space<hbm>> -> memref<1x64xf32, #tpu.memory_space<hbm>>
        %dma_start3A_1211 = tpu.memref_squeeze %dma_start3A_1210 : memref<1x64xf32, #tpu.memory_space<hbm>> -> memref<64xf32, #tpu.memory_space<hbm>>
        tpu.enqueue_dma source(%dma_start3A_1211 : memref<64xf32, #tpu.memory_space<hbm>>) target(%dma_start3A_1208 : memref<64xf32, #tpu.memory_space<vmem>>) target_semaphore(%arg7 : memref<!tpu.dma_semaphore, #tpu.memory_space<semaphore_mem>>)
        %slice3A_1212 = vector.extract_strided_slice %get3A_1019 {offsets = [12], sizes = [1], strides = [1]} : vector<16xi32> to vector<1xi32>
        %squeeze3A_1213 = vector.extract %slice3A_1212[0] : i32 from vector<1xi32>
        %add3A_1214 = arith.constant 12 : i32
        %add3A_1215 = arith.addi %mul3A_1016, %add3A_1214 : i32
        %dma_start3A_1216 = arith.constant 0 : i32
        %dma_start3A_1217 = tpu.memref_slice %arg6[%add3A_1215, %dma_start3A_1216] : memref<512x64xf32, #tpu.memory_space<vmem>> -> memref<1x64xf32, #tpu.memory_space<vmem>>
        %dma_start3A_1218 = tpu.memref_squeeze %dma_start3A_1217 : memref<1x64xf32, #tpu.memory_space<vmem>> -> memref<64xf32, #tpu.memory_space<vmem>>
        %dma_start3A_1219 = arith.constant 0 : i32
        %dma_start3A_1220 = tpu.memref_slice %arg2[%squeeze3A_1213, %dma_start3A_1219] : memref<1000000x64xf32, #tpu.memory_space<hbm>> -> memref<1x64xf32, #tpu.memory_space<hbm>>
        %dma_start3A_1221 = tpu.memref_squeeze %dma_start3A_1220 : memref<1x64xf32, #tpu.memory_space<hbm>> -> memref<64xf32, #tpu.memory_space<hbm>>
        %dma_start3A_1222 = arith.constant 0 : i32
        %dma_start3A_1223 = tpu.memref_slice %arg6[%add3A_1215, %dma_start3A_1222] : memref<512x64xf32, #tpu.memory_space<vmem>> -> memref<1x64xf32, #tpu.memory_space<vmem>>
        %dma_start3A_1224 = tpu.memref_squeeze %dma_start3A_1223 : memref<1x64xf32, #tpu.memory_space<vmem>> -> memref<64xf32, #tpu.memory_space<vmem>>
        %dma_start3A_1225 = arith.constant 0 : i32
        %dma_start3A_1226 = tpu.memref_slice %arg2[%squeeze3A_1213, %dma_start3A_1225] : memref<1000000x64xf32, #tpu.memory_space<hbm>> -> memref<1x64xf32, #tpu.memory_space<hbm>>
        %dma_start3A_1227 = tpu.memref_squeeze %dma_start3A_1226 : memref<1x64xf32, #tpu.memory_space<hbm>> -> memref<64xf32, #tpu.memory_space<hbm>>
        tpu.enqueue_dma source(%dma_start3A_1227 : memref<64xf32, #tpu.memory_space<hbm>>) target(%dma_start3A_1224 : memref<64xf32, #tpu.memory_space<vmem>>) target_semaphore(%arg7 : memref<!tpu.dma_semaphore, #tpu.memory_space<semaphore_mem>>)
        %slice3A_1228 = vector.extract_strided_slice %get3A_1019 {offsets = [13], sizes = [1], strides = [1]} : vector<16xi32> to vector<1xi32>
        %squeeze3A_1229 = vector.extract %slice3A_1228[0] : i32 from vector<1xi32>
        %add3A_1230 = arith.constant 13 : i32
        %add3A_1231 = arith.addi %mul3A_1016, %add3A_1230 : i32
        %dma_start3A_1232 = arith.constant 0 : i32
        %dma_start3A_1233 = tpu.memref_slice %arg6[%add3A_1231, %dma_start3A_1232] : memref<512x64xf32, #tpu.memory_space<vmem>> -> memref<1x64xf32, #tpu.memory_space<vmem>>
        %dma_start3A_1234 = tpu.memref_squeeze %dma_start3A_1233 : memref<1x64xf32, #tpu.memory_space<vmem>> -> memref<64xf32, #tpu.memory_space<vmem>>
        %dma_start3A_1235 = arith.constant 0 : i32
        %dma_start3A_1236 = tpu.memref_slice %arg2[%squeeze3A_1229, %dma_start3A_1235] : memref<1000000x64xf32, #tpu.memory_space<hbm>> -> memref<1x64xf32, #tpu.memory_space<hbm>>
        %dma_start3A_1237 = tpu.memref_squeeze %dma_start3A_1236 : memref<1x64xf32, #tpu.memory_space<hbm>> -> memref<64xf32, #tpu.memory_space<hbm>>
        %dma_start3A_1238 = arith.constant 0 : i32
        %dma_start3A_1239 = tpu.memref_slice %arg6[%add3A_1231, %dma_start3A_1238] : memref<512x64xf32, #tpu.memory_space<vmem>> -> memref<1x64xf32, #tpu.memory_space<vmem>>
        %dma_start3A_1240 = tpu.memref_squeeze %dma_start3A_1239 : memref<1x64xf32, #tpu.memory_space<vmem>> -> memref<64xf32, #tpu.memory_space<vmem>>
        %dma_start3A_1241 = arith.constant 0 : i32
        %dma_start3A_1242 = tpu.memref_slice %arg2[%squeeze3A_1229, %dma_start3A_1241] : memref<1000000x64xf32, #tpu.memory_space<hbm>> -> memref<1x64xf32, #tpu.memory_space<hbm>>
        %dma_start3A_1243 = tpu.memref_squeeze %dma_start3A_1242 : memref<1x64xf32, #tpu.memory_space<hbm>> -> memref<64xf32, #tpu.memory_space<hbm>>
        tpu.enqueue_dma source(%dma_start3A_1243 : memref<64xf32, #tpu.memory_space<hbm>>) target(%dma_start3A_1240 : memref<64xf32, #tpu.memory_space<vmem>>) target_semaphore(%arg7 : memref<!tpu.dma_semaphore, #tpu.memory_space<semaphore_mem>>)
        %slice3A_1244 = vector.extract_strided_slice %get3A_1019 {offsets = [14], sizes = [1], strides = [1]} : vector<16xi32> to vector<1xi32>
        %squeeze3A_1245 = vector.extract %slice3A_1244[0] : i32 from vector<1xi32>
        %add3A_1246 = arith.constant 14 : i32
        %add3A_1247 = arith.addi %mul3A_1016, %add3A_1246 : i32
        %dma_start3A_1248 = arith.constant 0 : i32
        %dma_start3A_1249 = tpu.memref_slice %arg6[%add3A_1247, %dma_start3A_1248] : memref<512x64xf32, #tpu.memory_space<vmem>> -> memref<1x64xf32, #tpu.memory_space<vmem>>
        %dma_start3A_1250 = tpu.memref_squeeze %dma_start3A_1249 : memref<1x64xf32, #tpu.memory_space<vmem>> -> memref<64xf32, #tpu.memory_space<vmem>>
        %dma_start3A_1251 = arith.constant 0 : i32
        %dma_start3A_1252 = tpu.memref_slice %arg2[%squeeze3A_1245, %dma_start3A_1251] : memref<1000000x64xf32, #tpu.memory_space<hbm>> -> memref<1x64xf32, #tpu.memory_space<hbm>>
        %dma_start3A_1253 = tpu.memref_squeeze %dma_start3A_1252 : memref<1x64xf32, #tpu.memory_space<hbm>> -> memref<64xf32, #tpu.memory_space<hbm>>
        %dma_start3A_1254 = arith.constant 0 : i32
        %dma_start3A_1255 = tpu.memref_slice %arg6[%add3A_1247, %dma_start3A_1254] : memref<512x64xf32, #tpu.memory_space<vmem>> -> memref<1x64xf32, #tpu.memory_space<vmem>>
        %dma_start3A_1256 = tpu.memref_squeeze %dma_start3A_1255 : memref<1x64xf32, #tpu.memory_space<vmem>> -> memref<64xf32, #tpu.memory_space<vmem>>
        %dma_start3A_1257 = arith.constant 0 : i32
        %dma_start3A_1258 = tpu.memref_slice %arg2[%squeeze3A_1245, %dma_start3A_1257] : memref<1000000x64xf32, #tpu.memory_space<hbm>> -> memref<1x64xf32, #tpu.memory_space<hbm>>
        %dma_start3A_1259 = tpu.memref_squeeze %dma_start3A_1258 : memref<1x64xf32, #tpu.memory_space<hbm>> -> memref<64xf32, #tpu.memory_space<hbm>>
        tpu.enqueue_dma source(%dma_start3A_1259 : memref<64xf32, #tpu.memory_space<hbm>>) target(%dma_start3A_1256 : memref<64xf32, #tpu.memory_space<vmem>>) target_semaphore(%arg7 : memref<!tpu.dma_semaphore, #tpu.memory_space<semaphore_mem>>)
        %slice3A_1260 = vector.extract_strided_slice %get3A_1019 {offsets = [15], sizes = [1], strides = [1]} : vector<16xi32> to vector<1xi32>
        %squeeze3A_1261 = vector.extract %slice3A_1260[0] : i32 from vector<1xi32>
        %add3A_1262 = arith.constant 15 : i32
        %add3A_1263 = arith.addi %mul3A_1016, %add3A_1262 : i32
        %dma_start3A_1264 = arith.constant 0 : i32
        %dma_start3A_1265 = tpu.memref_slice %arg6[%add3A_1263, %dma_start3A_1264] : memref<512x64xf32, #tpu.memory_space<vmem>> -> memref<1x64xf32, #tpu.memory_space<vmem>>
        %dma_start3A_1266 = tpu.memref_squeeze %dma_start3A_1265 : memref<1x64xf32, #tpu.memory_space<vmem>> -> memref<64xf32, #tpu.memory_space<vmem>>
        %dma_start3A_1267 = arith.constant 0 : i32
        %dma_start3A_1268 = tpu.memref_slice %arg2[%squeeze3A_1261, %dma_start3A_1267] : memref<1000000x64xf32, #tpu.memory_space<hbm>> -> memref<1x64xf32, #tpu.memory_space<hbm>>
        %dma_start3A_1269 = tpu.memref_squeeze %dma_start3A_1268 : memref<1x64xf32, #tpu.memory_space<hbm>> -> memref<64xf32, #tpu.memory_space<hbm>>
        %dma_start3A_1270 = arith.constant 0 : i32
        %dma_start3A_1271 = tpu.memref_slice %arg6[%add3A_1263, %dma_start3A_1270] : memref<512x64xf32, #tpu.memory_space<vmem>> -> memref<1x64xf32, #tpu.memory_space<vmem>>
        %dma_start3A_1272 = tpu.memref_squeeze %dma_start3A_1271 : memref<1x64xf32, #tpu.memory_space<vmem>> -> memref<64xf32, #tpu.memory_space<vmem>>
        %dma_start3A_1273 = arith.constant 0 : i32
        %dma_start3A_1274 = tpu.memref_slice %arg2[%squeeze3A_1261, %dma_start3A_1273] : memref<1000000x64xf32, #tpu.memory_space<hbm>> -> memref<1x64xf32, #tpu.memory_space<hbm>>
        %dma_start3A_1275 = tpu.memref_squeeze %dma_start3A_1274 : memref<1x64xf32, #tpu.memory_space<hbm>> -> memref<64xf32, #tpu.memory_space<hbm>>
        tpu.enqueue_dma source(%dma_start3A_1275 : memref<64xf32, #tpu.memory_space<hbm>>) target(%dma_start3A_1272 : memref<64xf32, #tpu.memory_space<vmem>>) target_semaphore(%arg7 : memref<!tpu.dma_semaphore, #tpu.memory_space<semaphore_mem>>)
      } else {
      }
      %add3A_769 = arith.constant 1 : i32
      %add3A_770 = arith.addi %mul3A_259, %add3A_769 : i32
      %mul3A_771 = arith.constant 16 : i32
      %mul3A_772 = arith.muli %add3A_770, %mul3A_771 : i32
      %add3A_773 = arith.constant 0 : i32
      %add3A_774 = arith.addi %mul3A_772, %add3A_773 : i32
      %dma_wait3A_775 = arith.constant 0 : i32
      %dma_wait3A_776 = arith.constant 0 : i32
      %dma_wait3A_777 = tpu.memref_slice %arg6[%add3A_774, %dma_wait3A_776] : memref<512x64xf32, #tpu.memory_space<vmem>> -> memref<1x64xf32, #tpu.memory_space<vmem>>
      %dma_wait3A_778 = tpu.memref_squeeze %dma_wait3A_777 : memref<1x64xf32, #tpu.memory_space<vmem>> -> memref<64xf32, #tpu.memory_space<vmem>>
      %dma_wait3A_779 = arith.constant 0 : i32
      %dma_wait3A_780 = tpu.memref_slice %arg2[%dma_wait3A_775, %dma_wait3A_779] : memref<1000000x64xf32, #tpu.memory_space<hbm>> -> memref<1x64xf32, #tpu.memory_space<hbm>>
      %dma_wait3A_781 = tpu.memref_squeeze %dma_wait3A_780 : memref<1x64xf32, #tpu.memory_space<hbm>> -> memref<64xf32, #tpu.memory_space<hbm>>
      %dma_wait3A_782 = arith.constant 0 : i32
      %dma_wait3A_783 = tpu.memref_slice %arg6[%add3A_774, %dma_wait3A_782] : memref<512x64xf32, #tpu.memory_space<vmem>> -> memref<1x64xf32, #tpu.memory_space<vmem>>
      %dma_wait3A_784 = tpu.memref_squeeze %dma_wait3A_783 : memref<1x64xf32, #tpu.memory_space<vmem>> -> memref<64xf32, #tpu.memory_space<vmem>>
      %dma_wait3A_785 = arith.constant 0 : i32
      %dma_wait3A_786 = tpu.memref_slice %arg2[%dma_wait3A_775, %dma_wait3A_785] : memref<1000000x64xf32, #tpu.memory_space<hbm>> -> memref<1x64xf32, #tpu.memory_space<hbm>>
      %dma_wait3A_787 = tpu.memref_squeeze %dma_wait3A_786 : memref<1x64xf32, #tpu.memory_space<hbm>> -> memref<64xf32, #tpu.memory_space<hbm>>
      tpu.wait_dma2 semaphore(%arg8 : memref<!tpu.dma_semaphore, #tpu.memory_space<semaphore_mem>>) src(%dma_wait3A_787 : memref<64xf32, #tpu.memory_space<hbm>>) dst(%dma_wait3A_784 : memref<64xf32, #tpu.memory_space<vmem>>)
      %add3A_788 = arith.constant 1 : i32
      %add3A_789 = arith.addi %mul3A_772, %add3A_788 : i32
      %dma_wait3A_790 = arith.constant 0 : i32
      %dma_wait3A_791 = arith.constant 0 : i32
      %dma_wait3A_792 = tpu.memref_slice %arg6[%add3A_789, %dma_wait3A_791] : memref<512x64xf32, #tpu.memory_space<vmem>> -> memref<1x64xf32, #tpu.memory_space<vmem>>
      %dma_wait3A_793 = tpu.memref_squeeze %dma_wait3A_792 : memref<1x64xf32, #tpu.memory_space<vmem>> -> memref<64xf32, #tpu.memory_space<vmem>>
      %dma_wait3A_794 = arith.constant 0 : i32
      %dma_wait3A_795 = tpu.memref_slice %arg2[%dma_wait3A_790, %dma_wait3A_794] : memref<1000000x64xf32, #tpu.memory_space<hbm>> -> memref<1x64xf32, #tpu.memory_space<hbm>>
      %dma_wait3A_796 = tpu.memref_squeeze %dma_wait3A_795 : memref<1x64xf32, #tpu.memory_space<hbm>> -> memref<64xf32, #tpu.memory_space<hbm>>
      %dma_wait3A_797 = arith.constant 0 : i32
      %dma_wait3A_798 = tpu.memref_slice %arg6[%add3A_789, %dma_wait3A_797] : memref<512x64xf32, #tpu.memory_space<vmem>> -> memref<1x64xf32, #tpu.memory_space<vmem>>
      %dma_wait3A_799 = tpu.memref_squeeze %dma_wait3A_798 : memref<1x64xf32, #tpu.memory_space<vmem>> -> memref<64xf32, #tpu.memory_space<vmem>>
      %dma_wait3A_800 = arith.constant 0 : i32
      %dma_wait3A_801 = tpu.memref_slice %arg2[%dma_wait3A_790, %dma_wait3A_800] : memref<1000000x64xf32, #tpu.memory_space<hbm>> -> memref<1x64xf32, #tpu.memory_space<hbm>>
      %dma_wait3A_802 = tpu.memref_squeeze %dma_wait3A_801 : memref<1x64xf32, #tpu.memory_space<hbm>> -> memref<64xf32, #tpu.memory_space<hbm>>
      tpu.wait_dma2 semaphore(%arg8 : memref<!tpu.dma_semaphore, #tpu.memory_space<semaphore_mem>>) src(%dma_wait3A_802 : memref<64xf32, #tpu.memory_space<hbm>>) dst(%dma_wait3A_799 : memref<64xf32, #tpu.memory_space<vmem>>)
      %add3A_803 = arith.constant 2 : i32
      %add3A_804 = arith.addi %mul3A_772, %add3A_803 : i32
      %dma_wait3A_805 = arith.constant 0 : i32
      %dma_wait3A_806 = arith.constant 0 : i32
      %dma_wait3A_807 = tpu.memref_slice %arg6[%add3A_804, %dma_wait3A_806] : memref<512x64xf32, #tpu.memory_space<vmem>> -> memref<1x64xf32, #tpu.memory_space<vmem>>
      %dma_wait3A_808 = tpu.memref_squeeze %dma_wait3A_807 : memref<1x64xf32, #tpu.memory_space<vmem>> -> memref<64xf32, #tpu.memory_space<vmem>>
      %dma_wait3A_809 = arith.constant 0 : i32
      %dma_wait3A_810 = tpu.memref_slice %arg2[%dma_wait3A_805, %dma_wait3A_809] : memref<1000000x64xf32, #tpu.memory_space<hbm>> -> memref<1x64xf32, #tpu.memory_space<hbm>>
      %dma_wait3A_811 = tpu.memref_squeeze %dma_wait3A_810 : memref<1x64xf32, #tpu.memory_space<hbm>> -> memref<64xf32, #tpu.memory_space<hbm>>
      %dma_wait3A_812 = arith.constant 0 : i32
      %dma_wait3A_813 = tpu.memref_slice %arg6[%add3A_804, %dma_wait3A_812] : memref<512x64xf32, #tpu.memory_space<vmem>> -> memref<1x64xf32, #tpu.memory_space<vmem>>
      %dma_wait3A_814 = tpu.memref_squeeze %dma_wait3A_813 : memref<1x64xf32, #tpu.memory_space<vmem>> -> memref<64xf32, #tpu.memory_space<vmem>>
      %dma_wait3A_815 = arith.constant 0 : i32
      %dma_wait3A_816 = tpu.memref_slice %arg2[%dma_wait3A_805, %dma_wait3A_815] : memref<1000000x64xf32, #tpu.memory_space<hbm>> -> memref<1x64xf32, #tpu.memory_space<hbm>>
      %dma_wait3A_817 = tpu.memref_squeeze %dma_wait3A_816 : memref<1x64xf32, #tpu.memory_space<hbm>> -> memref<64xf32, #tpu.memory_space<hbm>>
      tpu.wait_dma2 semaphore(%arg8 : memref<!tpu.dma_semaphore, #tpu.memory_space<semaphore_mem>>) src(%dma_wait3A_817 : memref<64xf32, #tpu.memory_space<hbm>>) dst(%dma_wait3A_814 : memref<64xf32, #tpu.memory_space<vmem>>)
      %add3A_818 = arith.constant 3 : i32
      %add3A_819 = arith.addi %mul3A_772, %add3A_818 : i32
      %dma_wait3A_820 = arith.constant 0 : i32
      %dma_wait3A_821 = arith.constant 0 : i32
      %dma_wait3A_822 = tpu.memref_slice %arg6[%add3A_819, %dma_wait3A_821] : memref<512x64xf32, #tpu.memory_space<vmem>> -> memref<1x64xf32, #tpu.memory_space<vmem>>
      %dma_wait3A_823 = tpu.memref_squeeze %dma_wait3A_822 : memref<1x64xf32, #tpu.memory_space<vmem>> -> memref<64xf32, #tpu.memory_space<vmem>>
      %dma_wait3A_824 = arith.constant 0 : i32
      %dma_wait3A_825 = tpu.memref_slice %arg2[%dma_wait3A_820, %dma_wait3A_824] : memref<1000000x64xf32, #tpu.memory_space<hbm>> -> memref<1x64xf32, #tpu.memory_space<hbm>>
      %dma_wait3A_826 = tpu.memref_squeeze %dma_wait3A_825 : memref<1x64xf32, #tpu.memory_space<hbm>> -> memref<64xf32, #tpu.memory_space<hbm>>
      %dma_wait3A_827 = arith.constant 0 : i32
      %dma_wait3A_828 = tpu.memref_slice %arg6[%add3A_819, %dma_wait3A_827] : memref<512x64xf32, #tpu.memory_space<vmem>> -> memref<1x64xf32, #tpu.memory_space<vmem>>
      %dma_wait3A_829 = tpu.memref_squeeze %dma_wait3A_828 : memref<1x64xf32, #tpu.memory_space<vmem>> -> memref<64xf32, #tpu.memory_space<vmem>>
      %dma_wait3A_830 = arith.constant 0 : i32
      %dma_wait3A_831 = tpu.memref_slice %arg2[%dma_wait3A_820, %dma_wait3A_830] : memref<1000000x64xf32, #tpu.memory_space<hbm>> -> memref<1x64xf32, #tpu.memory_space<hbm>>
      %dma_wait3A_832 = tpu.memref_squeeze %dma_wait3A_831 : memref<1x64xf32, #tpu.memory_space<hbm>> -> memref<64xf32, #tpu.memory_space<hbm>>
      tpu.wait_dma2 semaphore(%arg8 : memref<!tpu.dma_semaphore, #tpu.memory_space<semaphore_mem>>) src(%dma_wait3A_832 : memref<64xf32, #tpu.memory_space<hbm>>) dst(%dma_wait3A_829 : memref<64xf32, #tpu.memory_space<vmem>>)
      %add3A_833 = arith.constant 4 : i32
      %add3A_834 = arith.addi %mul3A_772, %add3A_833 : i32
      %dma_wait3A_835 = arith.constant 0 : i32
      %dma_wait3A_836 = arith.constant 0 : i32
      %dma_wait3A_837 = tpu.memref_slice %arg6[%add3A_834, %dma_wait3A_836] : memref<512x64xf32, #tpu.memory_space<vmem>> -> memref<1x64xf32, #tpu.memory_space<vmem>>
      %dma_wait3A_838 = tpu.memref_squeeze %dma_wait3A_837 : memref<1x64xf32, #tpu.memory_space<vmem>> -> memref<64xf32, #tpu.memory_space<vmem>>
      %dma_wait3A_839 = arith.constant 0 : i32
      %dma_wait3A_840 = tpu.memref_slice %arg2[%dma_wait3A_835, %dma_wait3A_839] : memref<1000000x64xf32, #tpu.memory_space<hbm>> -> memref<1x64xf32, #tpu.memory_space<hbm>>
      %dma_wait3A_841 = tpu.memref_squeeze %dma_wait3A_840 : memref<1x64xf32, #tpu.memory_space<hbm>> -> memref<64xf32, #tpu.memory_space<hbm>>
      %dma_wait3A_842 = arith.constant 0 : i32
      %dma_wait3A_843 = tpu.memref_slice %arg6[%add3A_834, %dma_wait3A_842] : memref<512x64xf32, #tpu.memory_space<vmem>> -> memref<1x64xf32, #tpu.memory_space<vmem>>
      %dma_wait3A_844 = tpu.memref_squeeze %dma_wait3A_843 : memref<1x64xf32, #tpu.memory_space<vmem>> -> memref<64xf32, #tpu.memory_space<vmem>>
      %dma_wait3A_845 = arith.constant 0 : i32
      %dma_wait3A_846 = tpu.memref_slice %arg2[%dma_wait3A_835, %dma_wait3A_845] : memref<1000000x64xf32, #tpu.memory_space<hbm>> -> memref<1x64xf32, #tpu.memory_space<hbm>>
      %dma_wait3A_847 = tpu.memref_squeeze %dma_wait3A_846 : memref<1x64xf32, #tpu.memory_space<hbm>> -> memref<64xf32, #tpu.memory_space<hbm>>
      tpu.wait_dma2 semaphore(%arg8 : memref<!tpu.dma_semaphore, #tpu.memory_space<semaphore_mem>>) src(%dma_wait3A_847 : memref<64xf32, #tpu.memory_space<hbm>>) dst(%dma_wait3A_844 : memref<64xf32, #tpu.memory_space<vmem>>)
      %add3A_848 = arith.constant 5 : i32
      %add3A_849 = arith.addi %mul3A_772, %add3A_848 : i32
      %dma_wait3A_850 = arith.constant 0 : i32
      %dma_wait3A_851 = arith.constant 0 : i32
      %dma_wait3A_852 = tpu.memref_slice %arg6[%add3A_849, %dma_wait3A_851] : memref<512x64xf32, #tpu.memory_space<vmem>> -> memref<1x64xf32, #tpu.memory_space<vmem>>
      %dma_wait3A_853 = tpu.memref_squeeze %dma_wait3A_852 : memref<1x64xf32, #tpu.memory_space<vmem>> -> memref<64xf32, #tpu.memory_space<vmem>>
      %dma_wait3A_854 = arith.constant 0 : i32
      %dma_wait3A_855 = tpu.memref_slice %arg2[%dma_wait3A_850, %dma_wait3A_854] : memref<1000000x64xf32, #tpu.memory_space<hbm>> -> memref<1x64xf32, #tpu.memory_space<hbm>>
      %dma_wait3A_856 = tpu.memref_squeeze %dma_wait3A_855 : memref<1x64xf32, #tpu.memory_space<hbm>> -> memref<64xf32, #tpu.memory_space<hbm>>
      %dma_wait3A_857 = arith.constant 0 : i32
      %dma_wait3A_858 = tpu.memref_slice %arg6[%add3A_849, %dma_wait3A_857] : memref<512x64xf32, #tpu.memory_space<vmem>> -> memref<1x64xf32, #tpu.memory_space<vmem>>
      %dma_wait3A_859 = tpu.memref_squeeze %dma_wait3A_858 : memref<1x64xf32, #tpu.memory_space<vmem>> -> memref<64xf32, #tpu.memory_space<vmem>>
      %dma_wait3A_860 = arith.constant 0 : i32
      %dma_wait3A_861 = tpu.memref_slice %arg2[%dma_wait3A_850, %dma_wait3A_860] : memref<1000000x64xf32, #tpu.memory_space<hbm>> -> memref<1x64xf32, #tpu.memory_space<hbm>>
      %dma_wait3A_862 = tpu.memref_squeeze %dma_wait3A_861 : memref<1x64xf32, #tpu.memory_space<hbm>> -> memref<64xf32, #tpu.memory_space<hbm>>
      tpu.wait_dma2 semaphore(%arg8 : memref<!tpu.dma_semaphore, #tpu.memory_space<semaphore_mem>>) src(%dma_wait3A_862 : memref<64xf32, #tpu.memory_space<hbm>>) dst(%dma_wait3A_859 : memref<64xf32, #tpu.memory_space<vmem>>)
      %add3A_863 = arith.constant 6 : i32
      %add3A_864 = arith.addi %mul3A_772, %add3A_863 : i32
      %dma_wait3A_865 = arith.constant 0 : i32
      %dma_wait3A_866 = arith.constant 0 : i32
      %dma_wait3A_867 = tpu.memref_slice %arg6[%add3A_864, %dma_wait3A_866] : memref<512x64xf32, #tpu.memory_space<vmem>> -> memref<1x64xf32, #tpu.memory_space<vmem>>
      %dma_wait3A_868 = tpu.memref_squeeze %dma_wait3A_867 : memref<1x64xf32, #tpu.memory_space<vmem>> -> memref<64xf32, #tpu.memory_space<vmem>>
      %dma_wait3A_869 = arith.constant 0 : i32
      %dma_wait3A_870 = tpu.memref_slice %arg2[%dma_wait3A_865, %dma_wait3A_869] : memref<1000000x64xf32, #tpu.memory_space<hbm>> -> memref<1x64xf32, #tpu.memory_space<hbm>>
      %dma_wait3A_871 = tpu.memref_squeeze %dma_wait3A_870 : memref<1x64xf32, #tpu.memory_space<hbm>> -> memref<64xf32, #tpu.memory_space<hbm>>
      %dma_wait3A_872 = arith.constant 0 : i32
      %dma_wait3A_873 = tpu.memref_slice %arg6[%add3A_864, %dma_wait3A_872] : memref<512x64xf32, #tpu.memory_space<vmem>> -> memref<1x64xf32, #tpu.memory_space<vmem>>
      %dma_wait3A_874 = tpu.memref_squeeze %dma_wait3A_873 : memref<1x64xf32, #tpu.memory_space<vmem>> -> memref<64xf32, #tpu.memory_space<vmem>>
      %dma_wait3A_875 = arith.constant 0 : i32
      %dma_wait3A_876 = tpu.memref_slice %arg2[%dma_wait3A_865, %dma_wait3A_875] : memref<1000000x64xf32, #tpu.memory_space<hbm>> -> memref<1x64xf32, #tpu.memory_space<hbm>>
      %dma_wait3A_877 = tpu.memref_squeeze %dma_wait3A_876 : memref<1x64xf32, #tpu.memory_space<hbm>> -> memref<64xf32, #tpu.memory_space<hbm>>
      tpu.wait_dma2 semaphore(%arg8 : memref<!tpu.dma_semaphore, #tpu.memory_space<semaphore_mem>>) src(%dma_wait3A_877 : memref<64xf32, #tpu.memory_space<hbm>>) dst(%dma_wait3A_874 : memref<64xf32, #tpu.memory_space<vmem>>)
      %add3A_878 = arith.constant 7 : i32
      %add3A_879 = arith.addi %mul3A_772, %add3A_878 : i32
      %dma_wait3A_880 = arith.constant 0 : i32
      %dma_wait3A_881 = arith.constant 0 : i32
      %dma_wait3A_882 = tpu.memref_slice %arg6[%add3A_879, %dma_wait3A_881] : memref<512x64xf32, #tpu.memory_space<vmem>> -> memref<1x64xf32, #tpu.memory_space<vmem>>
      %dma_wait3A_883 = tpu.memref_squeeze %dma_wait3A_882 : memref<1x64xf32, #tpu.memory_space<vmem>> -> memref<64xf32, #tpu.memory_space<vmem>>
      %dma_wait3A_884 = arith.constant 0 : i32
      %dma_wait3A_885 = tpu.memref_slice %arg2[%dma_wait3A_880, %dma_wait3A_884] : memref<1000000x64xf32, #tpu.memory_space<hbm>> -> memref<1x64xf32, #tpu.memory_space<hbm>>
      %dma_wait3A_886 = tpu.memref_squeeze %dma_wait3A_885 : memref<1x64xf32, #tpu.memory_space<hbm>> -> memref<64xf32, #tpu.memory_space<hbm>>
      %dma_wait3A_887 = arith.constant 0 : i32
      %dma_wait3A_888 = tpu.memref_slice %arg6[%add3A_879, %dma_wait3A_887] : memref<512x64xf32, #tpu.memory_space<vmem>> -> memref<1x64xf32, #tpu.memory_space<vmem>>
      %dma_wait3A_889 = tpu.memref_squeeze %dma_wait3A_888 : memref<1x64xf32, #tpu.memory_space<vmem>> -> memref<64xf32, #tpu.memory_space<vmem>>
      %dma_wait3A_890 = arith.constant 0 : i32
      %dma_wait3A_891 = tpu.memref_slice %arg2[%dma_wait3A_880, %dma_wait3A_890] : memref<1000000x64xf32, #tpu.memory_space<hbm>> -> memref<1x64xf32, #tpu.memory_space<hbm>>
      %dma_wait3A_892 = tpu.memref_squeeze %dma_wait3A_891 : memref<1x64xf32, #tpu.memory_space<hbm>> -> memref<64xf32, #tpu.memory_space<hbm>>
      tpu.wait_dma2 semaphore(%arg8 : memref<!tpu.dma_semaphore, #tpu.memory_space<semaphore_mem>>) src(%dma_wait3A_892 : memref<64xf32, #tpu.memory_space<hbm>>) dst(%dma_wait3A_889 : memref<64xf32, #tpu.memory_space<vmem>>)
      %add3A_893 = arith.constant 8 : i32
      %add3A_894 = arith.addi %mul3A_772, %add3A_893 : i32
      %dma_wait3A_895 = arith.constant 0 : i32
      %dma_wait3A_896 = arith.constant 0 : i32
      %dma_wait3A_897 = tpu.memref_slice %arg6[%add3A_894, %dma_wait3A_896] : memref<512x64xf32, #tpu.memory_space<vmem>> -> memref<1x64xf32, #tpu.memory_space<vmem>>
      %dma_wait3A_898 = tpu.memref_squeeze %dma_wait3A_897 : memref<1x64xf32, #tpu.memory_space<vmem>> -> memref<64xf32, #tpu.memory_space<vmem>>
      %dma_wait3A_899 = arith.constant 0 : i32
      %dma_wait3A_900 = tpu.memref_slice %arg2[%dma_wait3A_895, %dma_wait3A_899] : memref<1000000x64xf32, #tpu.memory_space<hbm>> -> memref<1x64xf32, #tpu.memory_space<hbm>>
      %dma_wait3A_901 = tpu.memref_squeeze %dma_wait3A_900 : memref<1x64xf32, #tpu.memory_space<hbm>> -> memref<64xf32, #tpu.memory_space<hbm>>
      %dma_wait3A_902 = arith.constant 0 : i32
      %dma_wait3A_903 = tpu.memref_slice %arg6[%add3A_894, %dma_wait3A_902] : memref<512x64xf32, #tpu.memory_space<vmem>> -> memref<1x64xf32, #tpu.memory_space<vmem>>
      %dma_wait3A_904 = tpu.memref_squeeze %dma_wait3A_903 : memref<1x64xf32, #tpu.memory_space<vmem>> -> memref<64xf32, #tpu.memory_space<vmem>>
      %dma_wait3A_905 = arith.constant 0 : i32
      %dma_wait3A_906 = tpu.memref_slice %arg2[%dma_wait3A_895, %dma_wait3A_905] : memref<1000000x64xf32, #tpu.memory_space<hbm>> -> memref<1x64xf32, #tpu.memory_space<hbm>>
      %dma_wait3A_907 = tpu.memref_squeeze %dma_wait3A_906 : memref<1x64xf32, #tpu.memory_space<hbm>> -> memref<64xf32, #tpu.memory_space<hbm>>
      tpu.wait_dma2 semaphore(%arg8 : memref<!tpu.dma_semaphore, #tpu.memory_space<semaphore_mem>>) src(%dma_wait3A_907 : memref<64xf32, #tpu.memory_space<hbm>>) dst(%dma_wait3A_904 : memref<64xf32, #tpu.memory_space<vmem>>)
      %add3A_908 = arith.constant 9 : i32
      %add3A_909 = arith.addi %mul3A_772, %add3A_908 : i32
      %dma_wait3A_910 = arith.constant 0 : i32
      %dma_wait3A_911 = arith.constant 0 : i32
      %dma_wait3A_912 = tpu.memref_slice %arg6[%add3A_909, %dma_wait3A_911] : memref<512x64xf32, #tpu.memory_space<vmem>> -> memref<1x64xf32, #tpu.memory_space<vmem>>
      %dma_wait3A_913 = tpu.memref_squeeze %dma_wait3A_912 : memref<1x64xf32, #tpu.memory_space<vmem>> -> memref<64xf32, #tpu.memory_space<vmem>>
      %dma_wait3A_914 = arith.constant 0 : i32
      %dma_wait3A_915 = tpu.memref_slice %arg2[%dma_wait3A_910, %dma_wait3A_914] : memref<1000000x64xf32, #tpu.memory_space<hbm>> -> memref<1x64xf32, #tpu.memory_space<hbm>>
      %dma_wait3A_916 = tpu.memref_squeeze %dma_wait3A_915 : memref<1x64xf32, #tpu.memory_space<hbm>> -> memref<64xf32, #tpu.memory_space<hbm>>
      %dma_wait3A_917 = arith.constant 0 : i32
      %dma_wait3A_918 = tpu.memref_slice %arg6[%add3A_909, %dma_wait3A_917] : memref<512x64xf32, #tpu.memory_space<vmem>> -> memref<1x64xf32, #tpu.memory_space<vmem>>
      %dma_wait3A_919 = tpu.memref_squeeze %dma_wait3A_918 : memref<1x64xf32, #tpu.memory_space<vmem>> -> memref<64xf32, #tpu.memory_space<vmem>>
      %dma_wait3A_920 = arith.constant 0 : i32
      %dma_wait3A_921 = tpu.memref_slice %arg2[%dma_wait3A_910, %dma_wait3A_920] : memref<1000000x64xf32, #tpu.memory_space<hbm>> -> memref<1x64xf32, #tpu.memory_space<hbm>>
      %dma_wait3A_922 = tpu.memref_squeeze %dma_wait3A_921 : memref<1x64xf32, #tpu.memory_space<hbm>> -> memref<64xf32, #tpu.memory_space<hbm>>
      tpu.wait_dma2 semaphore(%arg8 : memref<!tpu.dma_semaphore, #tpu.memory_space<semaphore_mem>>) src(%dma_wait3A_922 : memref<64xf32, #tpu.memory_space<hbm>>) dst(%dma_wait3A_919 : memref<64xf32, #tpu.memory_space<vmem>>)
      %add3A_923 = arith.constant 10 : i32
      %add3A_924 = arith.addi %mul3A_772, %add3A_923 : i32
      %dma_wait3A_925 = arith.constant 0 : i32
      %dma_wait3A_926 = arith.constant 0 : i32
      %dma_wait3A_927 = tpu.memref_slice %arg6[%add3A_924, %dma_wait3A_926] : memref<512x64xf32, #tpu.memory_space<vmem>> -> memref<1x64xf32, #tpu.memory_space<vmem>>
      %dma_wait3A_928 = tpu.memref_squeeze %dma_wait3A_927 : memref<1x64xf32, #tpu.memory_space<vmem>> -> memref<64xf32, #tpu.memory_space<vmem>>
      %dma_wait3A_929 = arith.constant 0 : i32
      %dma_wait3A_930 = tpu.memref_slice %arg2[%dma_wait3A_925, %dma_wait3A_929] : memref<1000000x64xf32, #tpu.memory_space<hbm>> -> memref<1x64xf32, #tpu.memory_space<hbm>>
      %dma_wait3A_931 = tpu.memref_squeeze %dma_wait3A_930 : memref<1x64xf32, #tpu.memory_space<hbm>> -> memref<64xf32, #tpu.memory_space<hbm>>
      %dma_wait3A_932 = arith.constant 0 : i32
      %dma_wait3A_933 = tpu.memref_slice %arg6[%add3A_924, %dma_wait3A_932] : memref<512x64xf32, #tpu.memory_space<vmem>> -> memref<1x64xf32, #tpu.memory_space<vmem>>
      %dma_wait3A_934 = tpu.memref_squeeze %dma_wait3A_933 : memref<1x64xf32, #tpu.memory_space<vmem>> -> memref<64xf32, #tpu.memory_space<vmem>>
      %dma_wait3A_935 = arith.constant 0 : i32
      %dma_wait3A_936 = tpu.memref_slice %arg2[%dma_wait3A_925, %dma_wait3A_935] : memref<1000000x64xf32, #tpu.memory_space<hbm>> -> memref<1x64xf32, #tpu.memory_space<hbm>>
      %dma_wait3A_937 = tpu.memref_squeeze %dma_wait3A_936 : memref<1x64xf32, #tpu.memory_space<hbm>> -> memref<64xf32, #tpu.memory_space<hbm>>
      tpu.wait_dma2 semaphore(%arg8 : memref<!tpu.dma_semaphore, #tpu.memory_space<semaphore_mem>>) src(%dma_wait3A_937 : memref<64xf32, #tpu.memory_space<hbm>>) dst(%dma_wait3A_934 : memref<64xf32, #tpu.memory_space<vmem>>)
      %add3A_938 = arith.constant 11 : i32
      %add3A_939 = arith.addi %mul3A_772, %add3A_938 : i32
      %dma_wait3A_940 = arith.constant 0 : i32
      %dma_wait3A_941 = arith.constant 0 : i32
      %dma_wait3A_942 = tpu.memref_slice %arg6[%add3A_939, %dma_wait3A_941] : memref<512x64xf32, #tpu.memory_space<vmem>> -> memref<1x64xf32, #tpu.memory_space<vmem>>
      %dma_wait3A_943 = tpu.memref_squeeze %dma_wait3A_942 : memref<1x64xf32, #tpu.memory_space<vmem>> -> memref<64xf32, #tpu.memory_space<vmem>>
      %dma_wait3A_944 = arith.constant 0 : i32
      %dma_wait3A_945 = tpu.memref_slice %arg2[%dma_wait3A_940, %dma_wait3A_944] : memref<1000000x64xf32, #tpu.memory_space<hbm>> -> memref<1x64xf32, #tpu.memory_space<hbm>>
      %dma_wait3A_946 = tpu.memref_squeeze %dma_wait3A_945 : memref<1x64xf32, #tpu.memory_space<hbm>> -> memref<64xf32, #tpu.memory_space<hbm>>
      %dma_wait3A_947 = arith.constant 0 : i32
      %dma_wait3A_948 = tpu.memref_slice %arg6[%add3A_939, %dma_wait3A_947] : memref<512x64xf32, #tpu.memory_space<vmem>> -> memref<1x64xf32, #tpu.memory_space<vmem>>
      %dma_wait3A_949 = tpu.memref_squeeze %dma_wait3A_948 : memref<1x64xf32, #tpu.memory_space<vmem>> -> memref<64xf32, #tpu.memory_space<vmem>>
      %dma_wait3A_950 = arith.constant 0 : i32
      %dma_wait3A_951 = tpu.memref_slice %arg2[%dma_wait3A_940, %dma_wait3A_950] : memref<1000000x64xf32, #tpu.memory_space<hbm>> -> memref<1x64xf32, #tpu.memory_space<hbm>>
      %dma_wait3A_952 = tpu.memref_squeeze %dma_wait3A_951 : memref<1x64xf32, #tpu.memory_space<hbm>> -> memref<64xf32, #tpu.memory_space<hbm>>
      tpu.wait_dma2 semaphore(%arg8 : memref<!tpu.dma_semaphore, #tpu.memory_space<semaphore_mem>>) src(%dma_wait3A_952 : memref<64xf32, #tpu.memory_space<hbm>>) dst(%dma_wait3A_949 : memref<64xf32, #tpu.memory_space<vmem>>)
      %add3A_953 = arith.constant 12 : i32
      %add3A_954 = arith.addi %mul3A_772, %add3A_953 : i32
      %dma_wait3A_955 = arith.constant 0 : i32
      %dma_wait3A_956 = arith.constant 0 : i32
      %dma_wait3A_957 = tpu.memref_slice %arg6[%add3A_954, %dma_wait3A_956] : memref<512x64xf32, #tpu.memory_space<vmem>> -> memref<1x64xf32, #tpu.memory_space<vmem>>
      %dma_wait3A_958 = tpu.memref_squeeze %dma_wait3A_957 : memref<1x64xf32, #tpu.memory_space<vmem>> -> memref<64xf32, #tpu.memory_space<vmem>>
      %dma_wait3A_959 = arith.constant 0 : i32
      %dma_wait3A_960 = tpu.memref_slice %arg2[%dma_wait3A_955, %dma_wait3A_959] : memref<1000000x64xf32, #tpu.memory_space<hbm>> -> memref<1x64xf32, #tpu.memory_space<hbm>>
      %dma_wait3A_961 = tpu.memref_squeeze %dma_wait3A_960 : memref<1x64xf32, #tpu.memory_space<hbm>> -> memref<64xf32, #tpu.memory_space<hbm>>
      %dma_wait3A_962 = arith.constant 0 : i32
      %dma_wait3A_963 = tpu.memref_slice %arg6[%add3A_954, %dma_wait3A_962] : memref<512x64xf32, #tpu.memory_space<vmem>> -> memref<1x64xf32, #tpu.memory_space<vmem>>
      %dma_wait3A_964 = tpu.memref_squeeze %dma_wait3A_963 : memref<1x64xf32, #tpu.memory_space<vmem>> -> memref<64xf32, #tpu.memory_space<vmem>>
      %dma_wait3A_965 = arith.constant 0 : i32
      %dma_wait3A_966 = tpu.memref_slice %arg2[%dma_wait3A_955, %dma_wait3A_965] : memref<1000000x64xf32, #tpu.memory_space<hbm>> -> memref<1x64xf32, #tpu.memory_space<hbm>>
      %dma_wait3A_967 = tpu.memref_squeeze %dma_wait3A_966 : memref<1x64xf32, #tpu.memory_space<hbm>> -> memref<64xf32, #tpu.memory_space<hbm>>
      tpu.wait_dma2 semaphore(%arg8 : memref<!tpu.dma_semaphore, #tpu.memory_space<semaphore_mem>>) src(%dma_wait3A_967 : memref<64xf32, #tpu.memory_space<hbm>>) dst(%dma_wait3A_964 : memref<64xf32, #tpu.memory_space<vmem>>)
      %add3A_968 = arith.constant 13 : i32
      %add3A_969 = arith.addi %mul3A_772, %add3A_968 : i32
      %dma_wait3A_970 = arith.constant 0 : i32
      %dma_wait3A_971 = arith.constant 0 : i32
      %dma_wait3A_972 = tpu.memref_slice %arg6[%add3A_969, %dma_wait3A_971] : memref<512x64xf32, #tpu.memory_space<vmem>> -> memref<1x64xf32, #tpu.memory_space<vmem>>
      %dma_wait3A_973 = tpu.memref_squeeze %dma_wait3A_972 : memref<1x64xf32, #tpu.memory_space<vmem>> -> memref<64xf32, #tpu.memory_space<vmem>>
      %dma_wait3A_974 = arith.constant 0 : i32
      %dma_wait3A_975 = tpu.memref_slice %arg2[%dma_wait3A_970, %dma_wait3A_974] : memref<1000000x64xf32, #tpu.memory_space<hbm>> -> memref<1x64xf32, #tpu.memory_space<hbm>>
      %dma_wait3A_976 = tpu.memref_squeeze %dma_wait3A_975 : memref<1x64xf32, #tpu.memory_space<hbm>> -> memref<64xf32, #tpu.memory_space<hbm>>
      %dma_wait3A_977 = arith.constant 0 : i32
      %dma_wait3A_978 = tpu.memref_slice %arg6[%add3A_969, %dma_wait3A_977] : memref<512x64xf32, #tpu.memory_space<vmem>> -> memref<1x64xf32, #tpu.memory_space<vmem>>
      %dma_wait3A_979 = tpu.memref_squeeze %dma_wait3A_978 : memref<1x64xf32, #tpu.memory_space<vmem>> -> memref<64xf32, #tpu.memory_space<vmem>>
      %dma_wait3A_980 = arith.constant 0 : i32
      %dma_wait3A_981 = tpu.memref_slice %arg2[%dma_wait3A_970, %dma_wait3A_980] : memref<1000000x64xf32, #tpu.memory_space<hbm>> -> memref<1x64xf32, #tpu.memory_space<hbm>>
      %dma_wait3A_982 = tpu.memref_squeeze %dma_wait3A_981 : memref<1x64xf32, #tpu.memory_space<hbm>> -> memref<64xf32, #tpu.memory_space<hbm>>
      tpu.wait_dma2 semaphore(%arg8 : memref<!tpu.dma_semaphore, #tpu.memory_space<semaphore_mem>>) src(%dma_wait3A_982 : memref<64xf32, #tpu.memory_space<hbm>>) dst(%dma_wait3A_979 : memref<64xf32, #tpu.memory_space<vmem>>)
      %add3A_983 = arith.constant 14 : i32
      %add3A_984 = arith.addi %mul3A_772, %add3A_983 : i32
      %dma_wait3A_985 = arith.constant 0 : i32
      %dma_wait3A_986 = arith.constant 0 : i32
      %dma_wait3A_987 = tpu.memref_slice %arg6[%add3A_984, %dma_wait3A_986] : memref<512x64xf32, #tpu.memory_space<vmem>> -> memref<1x64xf32, #tpu.memory_space<vmem>>
      %dma_wait3A_988 = tpu.memref_squeeze %dma_wait3A_987 : memref<1x64xf32, #tpu.memory_space<vmem>> -> memref<64xf32, #tpu.memory_space<vmem>>
      %dma_wait3A_989 = arith.constant 0 : i32
      %dma_wait3A_990 = tpu.memref_slice %arg2[%dma_wait3A_985, %dma_wait3A_989] : memref<1000000x64xf32, #tpu.memory_space<hbm>> -> memref<1x64xf32, #tpu.memory_space<hbm>>
      %dma_wait3A_991 = tpu.memref_squeeze %dma_wait3A_990 : memref<1x64xf32, #tpu.memory_space<hbm>> -> memref<64xf32, #tpu.memory_space<hbm>>
      %dma_wait3A_992 = arith.constant 0 : i32
      %dma_wait3A_993 = tpu.memref_slice %arg6[%add3A_984, %dma_wait3A_992] : memref<512x64xf32, #tpu.memory_space<vmem>> -> memref<1x64xf32, #tpu.memory_space<vmem>>
      %dma_wait3A_994 = tpu.memref_squeeze %dma_wait3A_993 : memref<1x64xf32, #tpu.memory_space<vmem>> -> memref<64xf32, #tpu.memory_space<vmem>>
      %dma_wait3A_995 = arith.constant 0 : i32
      %dma_wait3A_996 = tpu.memref_slice %arg2[%dma_wait3A_985, %dma_wait3A_995] : memref<1000000x64xf32, #tpu.memory_space<hbm>> -> memref<1x64xf32, #tpu.memory_space<hbm>>
      %dma_wait3A_997 = tpu.memref_squeeze %dma_wait3A_996 : memref<1x64xf32, #tpu.memory_space<hbm>> -> memref<64xf32, #tpu.memory_space<hbm>>
      tpu.wait_dma2 semaphore(%arg8 : memref<!tpu.dma_semaphore, #tpu.memory_space<semaphore_mem>>) src(%dma_wait3A_997 : memref<64xf32, #tpu.memory_space<hbm>>) dst(%dma_wait3A_994 : memref<64xf32, #tpu.memory_space<vmem>>)
      %add3A_998 = arith.constant 15 : i32
      %add3A_999 = arith.addi %mul3A_772, %add3A_998 : i32
      %dma_wait3A_1000 = arith.constant 0 : i32
      %dma_wait3A_1001 = arith.constant 0 : i32
      %dma_wait3A_1002 = tpu.memref_slice %arg6[%add3A_999, %dma_wait3A_1001] : memref<512x64xf32, #tpu.memory_space<vmem>> -> memref<1x64xf32, #tpu.memory_space<vmem>>
      %dma_wait3A_1003 = tpu.memref_squeeze %dma_wait3A_1002 : memref<1x64xf32, #tpu.memory_space<vmem>> -> memref<64xf32, #tpu.memory_space<vmem>>
      %dma_wait3A_1004 = arith.constant 0 : i32
      %dma_wait3A_1005 = tpu.memref_slice %arg2[%dma_wait3A_1000, %dma_wait3A_1004] : memref<1000000x64xf32, #tpu.memory_space<hbm>> -> memref<1x64xf32, #tpu.memory_space<hbm>>
      %dma_wait3A_1006 = tpu.memref_squeeze %dma_wait3A_1005 : memref<1x64xf32, #tpu.memory_space<hbm>> -> memref<64xf32, #tpu.memory_space<hbm>>
      %dma_wait3A_1007 = arith.constant 0 : i32
      %dma_wait3A_1008 = tpu.memref_slice %arg6[%add3A_999, %dma_wait3A_1007] : memref<512x64xf32, #tpu.memory_space<vmem>> -> memref<1x64xf32, #tpu.memory_space<vmem>>
      %dma_wait3A_1009 = tpu.memref_squeeze %dma_wait3A_1008 : memref<1x64xf32, #tpu.memory_space<vmem>> -> memref<64xf32, #tpu.memory_space<vmem>>
      %dma_wait3A_1010 = arith.constant 0 : i32
      %dma_wait3A_1011 = tpu.memref_slice %arg2[%dma_wait3A_1000, %dma_wait3A_1010] : memref<1000000x64xf32, #tpu.memory_space<hbm>> -> memref<1x64xf32, #tpu.memory_space<hbm>>
      %dma_wait3A_1012 = tpu.memref_squeeze %dma_wait3A_1011 : memref<1x64xf32, #tpu.memory_space<hbm>> -> memref<64xf32, #tpu.memory_space<hbm>>
      tpu.wait_dma2 semaphore(%arg8 : memref<!tpu.dma_semaphore, #tpu.memory_space<semaphore_mem>>) src(%dma_wait3A_1012 : memref<64xf32, #tpu.memory_space<hbm>>) dst(%dma_wait3A_1009 : memref<64xf32, #tpu.memory_space<vmem>>)
    }
    %scan3A_254 = arith.constant 16 : i32
    %mul3A_255 = arith.constant 512 : i32
    %mul3A_256 = arith.muli %add3A, %mul3A_255 : i32
    "tpu.region"() ({
      %run_scoped3A = tpu.sem_alloc : memref<!tpu.dma_semaphore, #tpu.memory_space<semaphore_mem>>
      %dma_start3A_257 = arith.constant 0 : i32
      %dma_start3A_258 = tpu.memref_slice %arg4[%mul3A_256, %dma_start3A_257] : memref<16384x64xf32, #tpu.memory_space<hbm>> -> memref<512x64xf32, #tpu.memory_space<hbm>>
      %dma_start3A_259 = arith.constant 0 : i32
      %dma_start3A_260 = tpu.memref_slice %arg4[%mul3A_256, %dma_start3A_259] : memref<16384x64xf32, #tpu.memory_space<hbm>> -> memref<512x64xf32, #tpu.memory_space<hbm>>
      tpu.enqueue_dma source(%arg6 : memref<512x64xf32, #tpu.memory_space<vmem>>) target(%dma_start3A_260 : memref<512x64xf32, #tpu.memory_space<hbm>>) target_semaphore(%run_scoped3A : memref<!tpu.dma_semaphore, #tpu.memory_space<semaphore_mem>>)
      %dma_wait3A_261 = arith.constant 0 : i32
      %dma_wait3A_262 = tpu.memref_slice %arg4[%mul3A_256, %dma_wait3A_261] : memref<16384x64xf32, #tpu.memory_space<hbm>> -> memref<512x64xf32, #tpu.memory_space<hbm>>
      %dma_wait3A_263 = arith.constant 0 : i32
      %dma_wait3A_264 = tpu.memref_slice %arg4[%mul3A_256, %dma_wait3A_263] : memref<16384x64xf32, #tpu.memory_space<hbm>> -> memref<512x64xf32, #tpu.memory_space<hbm>>
      tpu.wait_dma2 semaphore(%run_scoped3A : memref<!tpu.dma_semaphore, #tpu.memory_space<semaphore_mem>>) src(%arg6 : memref<512x64xf32, #tpu.memory_space<vmem>>) dst(%dma_wait3A_264 : memref<512x64xf32, #tpu.memory_space<hbm>>)
      tpu.yield
    }) : () -> ()
    return
  }
}

</mosaic_0001>

<sc_bundles>
// kernel: kernel.3.cloned.1.call-start
scs
__scs_entry_jumppad:
0x0: {  	(pc) =	sbr.rel $0x88, $3  }
0x1: {  	(tag) =	ssettag $0x0;
	lr =	simm.s32 $0x1  }
0x2: {  	[smem:$0x3F9F] =	sst lr;
	_ =	strace $0xD0000000  }
0x3: {  	_ = 	snop  }
0x4: {  	_ = 	snop  }
0x5: {  	_ = 	snop  }
0x6: {  	_ = 	snop  }
0x7: {  	_ = 	snop  }
__scs_overlays_trampoline_lowered:
0x8: {  	[smem:$0x3FAE] =	sst s0  }
0x9: {  	[smem:$0x3FAF] =	sst s1  }
0xa: {  	[smem:$0x3FB0] =	sst s2  }
0xb: {  	[smem:$0x3FB1] =	sst s3  }
0xc: {  	[smem:$0x3FB2] =	sst s4  }
0xd: {  	[smem:$0x3FB3] =	sst s5  }
0xe: {  	[smem:$0x3FB4] =	sst s6  }
0xf: {  	[smem:$0x3FB5] =	sst s7  }
0x10: {  	[smem:$0x3FB6] =	sst s8  }
0x11: {  	[smem:$0x3FB7] =	sst s9;
	s0 =	simm.s32 @!p0 $0x0  }
0x12: {  	s1 =	sld [smem:$0x3F9D];
	s0 =	simm.s32 @p0 $0x1  }
0x13: {  	[smem:$0x3FB8] =	sst s0;
	s0 =	simm.s32 @!p1 $0x0  }
0x14: {  	s2 =	sld [smem:$0x3F9C];
	s0 =	simm.s32 @p1 $0x1  }
0x15: {  	[smem:$0x3FB9] =	sst s0;
	s0 =	simm.s32 @!p2 $0x0  }
0x16: {  	s3 =	sld [smem:$0x3FDB];
	s0 =	simm.s32 @p2 $0x1  }
0x17: {  	s4 =	simm.s32 $0x1BF5;
	[smem:$0x3FBB] =	sst s0  }
0x18: {  	s0 =	sld [smem:$0x3F9E];
	_ =	swait.ge [sflag:s4], $0x0  }
0x19: {  	s7 =	sld [smem:$0x3F9F]  }
0x1a: {  	s8 =	sadd.s32 $0xFFFFE003, lr  }
0x1b: {  	s9 =	sadd.s32 $0xFFFFFEF7, lr;
	s5 =	simm.s32 $0xFFFFFFFF;
	p2 =	slt.u32 s8, $0xFFFFF086  }
0x1c: {  	p1 =	slt.u32 s9, $0xF7A;
	s5 =	simm.s32 @!p2 $0x0  }
0x1d: {  	s5 =	simm.s32 @p1 $0x1;
	p0 =	seq.s32 s7, s2  }
0x1e: {  	s7 =	smul.u32 @!p0 $0xF7A, s2;
	p2 =	seq.s32 @!p0 s5, $0x0  }
0x1f: {  	s9 =	smul.u32 $0xF7A, s1;
	s8 =	simm.s32 @!p0 $0x1BF5;
	p2 =	por !p2, p0  }
0x20: {  	[sflag:s8] =	ssyncset.s32 @!p0 $0xFFFFF086;
	s6 =	sadd.s32 @!p0 s3, s7;
	s7 =	simm.s32 @!p0 $0x108  }
0x21: {  	s3 =	sadd.s32 s3, s9;
	s6 =	sadd.s32 @!p0 $0x88, s6;
	s7 =	simm.s32 @p2 $0x1082  }
0x22: {  	[simem:s7], [sflag:s8] =	dma.local @!p0 [hbm:s6], $0xF7A  }
0x23: {  	s9 =	sor.u32 $0xD0000000, s2;
	s6 =	simm.s32 $0x108;
	_ =	swait.ge @!p0 [sflag:s8], $0x0  }
0x24: {  	s3 =	sadd.s32 $0x88, s3;
	s6 =	simm.s32 @!p1 $0x1082;
	[sflag:s4] =	ssyncset.s32 $0xFFFFF086  }
0x25: {  	[simem:s6], [sflag:s4] =	dma.local [hbm:s3], $0xF7A  }
0x26: {  	[smem:$0x3F9F] =	sst s1;
	(tag) =	ssettag s2;
	_ =	strace s9  }
0x27: {  	s1 =	sld [smem:$0x3FAF]  }
0x28: {  	s2 =	sld [smem:$0x3FB0]  }
0x29: {  	s4 =	sld [smem:$0x3FB2]  }
0x2a: {  	p0 =	seq.s32 s5, $0x0;
	s5 =	sld [smem:$0x3FB3]  }
0x2b: {  	s6 =	sld [smem:$0x3FB4]  }
0x2c: {  	s7 =	sld [smem:$0x3FB5]  }
0x2d: {  	s3 =	simm.s32 $0x108;
	s8 =	sld [smem:$0x3FB6]  }
0x2e: {  	s3 =	simm.s32 @!p0 $0x1082;
	s9 =	sld [smem:$0x3FB7]  }
0x2f: {  	lr =	sadd.s32 s0, s3;
	s0 =	sld [smem:$0x3FAE]  }
0x30: {  	s3 =	sld [smem:$0x3FB1]  }
0x31: {  	[smem:$0x3FBA] =	sst s10  }
0x32: {  	s10 =	sld [smem:$0x3FB8];
	_ =	sdelay $0x3  }
0x33: {  	p0 =	seq.s32 s10, $0x1;
	s10 =	sld [smem:$0x3FBA];
	_ =	sdelay $0x3  }
0x34: {  	[smem:$0x3FBA] =	sst s10  }
0x35: {  	s10 =	sld [smem:$0x3FB9];
	_ =	sdelay $0x3  }
0x36: {  	p1 =	seq.s32 s10, $0x1;
	s10 =	sld [smem:$0x3FBA];
	_ =	sdelay $0x3  }
0x37: {  	[smem:$0x3FBA] =	sst s10  }
0x38: {  	s10 =	sld [smem:$0x3FBB]  }
0x39: {  	_ = 	snop;
	(pc) =	sbr.ind lr, $3  }
0x3a: {  	_ = 	snop  }
0x3b: {  	_ = 	snop  }
0x3c: {  	p2 =	seq.s32 s10, $0x1;
	s10 =	sld [smem:$0x3FBA]  }
0x3d: {  	_ =	shalt  }
0x3e: {  	_ =	shalt  }
0x3f: {  	_ =	shalt  }
0x40: {  	_ =	shalt  }
0x41: {  	_ =	shalt  }
0x42: {  	_ =	shalt  }
0x43: {  	_ =	shalt  }
0x44: {  	_ =	shalt  }
0x45: {  	_ =	shalt  }
0x46: {  	_ =	shalt  }
0x47: {  	_ =	shalt  }
0x48: {  	_ =	shalt  }
0x49: {  	_ =	shalt  }
0x4a: {  	_ =	shalt  }
0x4b: {  	_ =	shalt  }
0x4c: {  	_ =	shalt  }
0x4d: {  	_ =	shalt  }
0x4e: {  	_ =	shalt  }
0x4f: {  	_ =	shalt  }
0x50: {  	_ =	shalt  }
0x51: {  	_ =	shalt  }
0x52: {  	_ =	shalt  }
0x53: {  	_ =	shalt  }
0x54: {  	_ =	shalt  }
0x55: {  	_ =	shalt  }
0x56: {  	_ =	shalt  }
0x57: {  	_ =	shalt  }
0x58: {  	_ =	shalt  }
0x59: {  	_ =	shalt  }
0x5a: {  	_ =	shalt  }
0x5b: {  	_ =	shalt  }
0x5c: {  	_ =	shalt  }
0x5d: {  	_ =	shalt  }
0x5e: {  	_ =	shalt  }
0x5f: {  	_ =	shalt  }
0x60: {  	_ =	shalt  }
0x61: {  	_ =	shalt  }
0x62: {  	_ =	shalt  }
0x63: {  	_ =	shalt  }
0x64: {  	_ =	shalt  }
0x65: {  	_ =	shalt  }
0x66: {  	_ =	shalt  }
0x67: {  	_ =	shalt  }
0x68: {  	_ =	shalt  }
0x69: {  	_ =	shalt  }
0x6a: {  	_ =	shalt  }
0x6b: {  	_ =	shalt  }
0x6c: {  	_ =	shalt  }
0x6d: {  	_ =	shalt  }
0x6e: {  	_ =	shalt  }
0x6f: {  	_ =	shalt  }
0x70: {  	_ =	shalt  }
0x71: {  	_ =	shalt  }
0x72: {  	_ =	shalt  }
0x73: {  	_ =	shalt  }
0x74: {  	_ =	shalt  }
0x75: {  	_ =	shalt  }
0x76: {  	_ =	shalt  }
0x77: {  	_ =	shalt  }
0x78: {  	_ =	shalt  }
0x79: {  	_ =	shalt  }
0x7a: {  	_ =	shalt  }
0x7b: {  	_ =	shalt  }
0x7c: {  	_ =	shalt  }
0x7d: {  	_ =	shalt  }
0x7e: {  	_ =	shalt  }
0x7f: {  	_ =	shalt  }
0x80: {  	_ =	shalt  }
0x81: {  	_ =	shalt  }
0x82: {  	_ =	shalt  }
0x83: {  	_ =	shalt  }
0x84: {  	_ =	shalt  }
0x85: {  	_ =	shalt  }
0x86: {  	_ =	shalt  }
0x87: {  	_ =	shalt  }
.Lfunc_end0:
.L_simem_size_0:
called_computation_lowered:
.L_overlay_start_0:
0x88: {  	s2 =	sld [smem:$0x3FD9]  }
0x89: {  	s3 =	sld [smem:$0x3FFE];
	_ =	sdelay $0x1  }
0x8a: {  	s1 =	srdreg.scid  }
0x8b: {  	s0 =	sand.u32 $0x1, s1  }
0x8c: {  	s17 =	sshll.u32 s0, $0xA;
	s2 =	sadd.s32 s3, s2  }
0x8d: {  	s2 =	sadd.s32 s2, s17  }
0x8e: {  	[smem:$0x3FC6] =	sst s2  }
0x8f: {  	_ = 	snop  }
0x90: {  	s2 =	sld [smem:$0x3FD0];
	(tm) =	ssettm $0x1  }
0x91: {  	s18 =	sld [smem:$0x3FFB];
	_ =	sdelay $0x3  }
0x92: {  	_ =	strace s18  }
0x93: {  	s3 =	sld [smem:$0x3FFC];
	_ =	sdelay $0x3  }
0x94: {  	_ =	strace s3  }
0x95: {  	s3 =	sld [smem:$0x3FFD];
	_ =	sdelay $0x3  }
0x96: {  	_ =	strace s3  }
0x97: {  	_ =	strace $0x8FFFFFFF  }
0x98: {  	s19 =	sld [smem:$0x3FDB];
	_ =	sdelay $0x1  }
0x99: {  	s4 =	simm.s32 $_scs_section_size  }
0x9a: {  	s5 =	simm.s32 $_size__tile_overlayer_lowered;
	s6 =	simm.s32 $_tile_overlayer_lowered  }
0x9b: {  	s22 =	simm.s32 $0x1BFF;
	s21 =	sshll.u32 s6, $0x1;
	s3 =	sadd.s32 s4, s19  }
0x9c: {  	s7 =	simm.s32 $0x0;
	s20 =	sshll.u32 s5, $0x1;
	s5 =	sadd.s32 s21, s3  }
0x9d: {  	[timem:s7], [sflag:s22] =	dma.local [hbm:s5], s20  }
0x9e: {  	_ =	swait.ge [sflag:s22], s20  }
0x9f: {  	s4 =	ssub.s32 $0x0, s20;
	[sflag:s22] =	ssyncset.done $0x0  }
0xa0: {  	[sflag:s22] =	ssyncadd.s32 s4;
	_ =	sdelay $0x1  }
0xa1: {  	s23 =	simm.s32 $0x1B8B  }
0xa2: {  	_ =	swait.ge [sflag:s23], $0x1  }
0xa3: {  	[sflag:s23] =	ssyncset.done $0x0  }
0xa4: {  	s25 =	simm.s32 $0x1B8E;
	s24 =	sld [smem:$0x3FFE];
	[sflag:s23] =	ssyncadd.s32 $0xFFFFFFFF  }
0xa5: {  	s26 =	simm.s32 $execute0_lowered;
	[smem:$0x3FD2] =	sst s25  }
0xa6: {  	s5 =	sshll.u32 s26, $0x1;
	_ =	strace $0x80000046;
	[dreg:$0x1] =	wrdreg $0xFFFFFFFF  }
0xa7: {  	s28 =	simm.s32 $_size_execute0_lowered;
	s3 =	sadd.s32 s3, s5;
	[dreg:$0x0] =	wrdreg $0x0  }
0xa8: {  	s5 =	sshll.u32 s28, $0x1;
	[dreg:$0x2] =	wrdreg s3  }
0xa9: {  	[dreg:$0x3] =	wrdreg s5  }
0xaa: {  	[dreg:$0x4] =	wrdreg $0xC0  }
0xab: {  	_ =	task [dreg:s7], $0x5FFFF  }
0xac: {  	[dreg:$0x1] =	wrdreg $0xFFFFFFFF  }
0xad: {  	[dreg:$0x0] =	wrdreg $0x60  }
0xae: {  	[dreg:$0x2] =	wrdreg s24  }
0xaf: {  	[dreg:$0x3] =	wrdreg s2  }
0xb0: {  	[dreg:$0x4] =	wrdreg $0x9  }
0xb1: {  	_ =	task.clear_ibuf [dreg:s7], $0x5FFFF;
	_ =	strace $0x90000046  }
0xb2: {  	s29 =	simm.s32 $0x9;
	_ =	strace $0x80000048  }
0xb3: {  	_ =	swait.ge [sflag:s29], $0x1  }
0xb4: {  	[sflag:s29] =	ssyncadd.s32 $0xFFFFFFFF  }
0xb5: {  	_ =	strace $0x90000048  }
0xb6: {  	_ =	sfence  }
0xb7: {  	s30 =	sld [smem:$0x0];
	_ =	sdelay $0x2  }
0xb8: {  	s31 =	sshll.u32 s1, $0xD;
	s1 =	sshrl.u32 s1, $0x2  }
0xb9: {  	s3 =	sand.u32 $0x4000, s31;
	s1 =	sadd.s32 s1, s30  }
0xba: {  	s0 =	sor.u32 s3, s0;
	s1 =	sshll.u32 s1, $0x11  }
0xbb: {  	s0 =	sor.u32 s1, s0  }
0xbc: {  	s0 =	sadd.s32 $0x8F2B, s0  }
0xbd: {  	[sflag:s0] =	ssyncadd.remote.s32 $0x1  }
0xbe: {  	_ =	sfence.sel $0xFFFF  }
0xbf: {  	[dreg:$0x0] =	wrdreg $0xFFFFFFFF;
	(pc) =	sbr.abs _section_cstart, $3  }
0xc0: {  	[dreg:$0x1] =	wrdreg $0xFFFFFFFF  }
0xc1: {  	_ =	task.clear_ibuf [dreg:s7], $0x2FFFF;
	_ =	strace $0x9FFFFFFF  }
0xc2: {  	(tm) =	ssettm $0x7FFFFFFF  }
0xc3: {  	_ =	shalt  }
tec
execute0_lowered:
.L_overlay_start_1:
0x0: {  	(tag) =	ssettag $0x1  }
0x1: {  	s2 =	rddreg [dreg:$0x0]  }
0x2: {  	s4 =	rddreg [dreg:$0x1];
	s5 =	srdreg.scid  }
0x3: {  	s0 =	stileid.u32;
	s3 =	simm.s32 $0x0;
	s10 =	simm.s32 $0x200  }
0x4: {  	s11 =	simm.s32 $0x280;
	s12 =	simm.s32 $0x300;
	s13 =	simm.s32 $0x380  }
0x5: {  	s14 =	simm.s32 $0x480;
	s15 =	simm.s32 $0x500;
	s16 =	simm.s32 $0x580  }
0x6: {  	s17 =	simm.s32 $0x600;
	s18 =	simm.s32 $0x680;
	s19 =	simm.s32 $0x700  }
0x7: {  	s20 =	simm.s32 $0x780;
	s21 =	simm.s32 $0x800;
	s22 =	simm.s32 $0x880  }
0x8: {  	s23 =	simm.s32 $0x900;
	s24 =	simm.s32 $0x980;
	s25 =	simm.s32 $0x2  }
0x9: {  	s26 =	simm.s32 $0x3;
	s28 =	simm.s32 $0x0;
	s5 =	sand.u32 $0x1, s5  }
0xa: {  	s6 =	sshll.u32 s0, $0x1;
	[smem:$0x7FF] =	sst s3;
	s8 =	sshll.u32 s0, $0x7  }
0xb: {  	s6 =	sor.u32 s5, s6;
	_ =	strace $0x80000047;
	s5 =	ssub.s32 $0x2, s5  }
.Ltmp0:
0xc: {  	s8 =	sand.u32 $0x600, s8;
	s7 =	sshll.u32 s6, $0xD;
	(pc) =	sbr.rel .LBB2_1-.Ltmp0, $4  }
0xd: {  	s9 =	sshrl.u32 s5, $0x1;
	s6 =	sshll.u32 s6, $0x4;
	s4 =	sadd.s32 s4, s8  }
0xe: {  	s8 =	simm.s32 $0x400;
	s7 =	sadd.s32 s7, s2;
	s31 =	sand.u32 $0x70, s6  }
0xf: {  	s9 =	ssub.s32 s5, s9;
	s4 =	sadd.s32 s31, s4;
	s5 =	sadd.s32 $0xF42400, s7  }
0x10: {  	s6 =	smax.u32 s9, $0x1;
	s7 =	simm.s32 $0x80;
	s9 =	simm.s32 $0x1  }
.LBB2_5:
0x11: {  	s28 =	sadd.s32 $0x1, s28  }
0x12: {  	p0 =	sne.s32 s28, s6  }
.Ltmp1:
0x13: {  	_ = 	snop;
	(pc) =	sbr.rel @!p0 .LBB2_6-.Ltmp1, $4  }
0x14: {  	[hbm4b:s5+s3] =	stream.linear.scatter [tilespmem:s10], [sflag:$0x3], $0x10000, $0x38;
	[tilespmem:$0x10200] =	vst v63  }
0x15: {  	_ =	swait.ge [sflag:s26], $0x10000  }
0x16: {  	[sflag:s26] =	ssyncset.done $0x0  }
0x17: {  	[sflag:s26] =	ssyncadd.s32 $0xFFFF0000  }
.LBB2_1:
0x18: {  	[tilespmem:s3], [sflag:$0x1] =	stream.strided.gather [hbm4b:s4+s7], $0x200, s8, s7, $0x38;
	[tilespmem:$0x10200] =	vst v63  }
0x19: {  	_ =	swait.ge [sflag:s9], $0x200  }
0x1a: {  	[sflag:s9] =	ssyncset.done $0x0  }
0x1b: {  	[sflag:s9] =	ssyncadd.s32 $0xFFFFFE00  }
0x1c: {  	v0 =	vld [tilespmem:$0x0];
	_ =	sdelay $0x4  }
0x1d: {  	v0 =	vshll.u32 v0, $0x4  }
0x1e: {  	(v2sf) =	vpush v0, $0x0;
	_ =	sdelay $0x3  }
0x1f: {  	(v2sf) =	vpush v0, $0x1;
	_ =	sdelay $0x3  }
0x20: {  	(v2sf) =	vpush v0, $0x2;
	_ =	sdelay $0x3  }
0x21: {  	(v2sf) =	vpush v0, $0x3;
	_ =	sdelay $0x2  }
0x22: {  	s29 =	spop (v2sf)  }
0x23: {  	(v2sf) =	vpush v0, $0x4;
	s29 =	sand.u32 $0x1FFFFFF0, s29  }
0x24: {  	s29 =	sadd.s32 s2, s29  }
0x25: {  	[tilespmem:s10], [sflag:$0x1] =	stream.linear.gather [hbm4b:s29+s3], $0x80, $0x38;
	[tilespmem:$0x10200] =	vst v63  }
0x26: {  	s29 =	spop (v2sf)  }
0x27: {  	(v2sf) =	vpush v0, $0x5;
	s29 =	sand.u32 $0x1FFFFFF0, s29  }
0x28: {  	s29 =	sadd.s32 s2, s29  }
0x29: {  	[tilespmem:s11], [sflag:$0x1] =	stream.linear.gather [hbm4b:s29+s3], $0x80, $0x38;
	[tilespmem:$0x10200] =	vst v63  }
0x2a: {  	s29 =	spop (v2sf)  }
0x2b: {  	(v2sf) =	vpush v0, $0x6;
	s29 =	sand.u32 $0x1FFFFFF0, s29  }
0x2c: {  	s29 =	sadd.s32 s2, s29  }
0x2d: {  	[tilespmem:s12], [sflag:$0x1] =	stream.linear.gather [hbm4b:s29+s3], $0x80, $0x38;
	[tilespmem:$0x10200] =	vst v63  }
0x2e: {  	s29 =	spop (v2sf)  }
0x2f: {  	(v2sf) =	vpush v0, $0x7;
	s29 =	sand.u32 $0x1FFFFFF0, s29  }
0x30: {  	s29 =	sadd.s32 s2, s29  }
0x31: {  	[tilespmem:s13], [sflag:$0x1] =	stream.linear.gather [hbm4b:s29+s3], $0x80, $0x38;
	[tilespmem:$0x10200] =	vst v63  }
0x32: {  	s29 =	spop (v2sf)  }
0x33: {  	(v2sf) =	vpush v0, $0x8;
	s29 =	sand.u32 $0x1FFFFFF0, s29  }
0x34: {  	s29 =	sadd.s32 s2, s29  }
0x35: {  	[tilespmem:s8], [sflag:$0x1] =	stream.linear.gather [hbm4b:s29+s3], $0x80, $0x38;
	[tilespmem:$0x10200] =	vst v63  }
0x36: {  	s29 =	spop (v2sf)  }
0x37: {  	(v2sf) =	vpush v0, $0x9;
	s29 =	sand.u32 $0x1FFFFFF0, s29  }
0x38: {  	s29 =	sadd.s32 s2, s29  }
0x39: {  	[tilespmem:s14], [sflag:$0x1] =	stream.linear.gather [hbm4b:s29+s3], $0x80, $0x38;
	[tilespmem:$0x10200] =	vst v63  }
0x3a: {  	s29 =	spop (v2sf)  }
0x3b: {  	(v2sf) =	vpush v0, $0xA;
	s29 =	sand.u32 $0x1FFFFFF0, s29  }
0x3c: {  	s29 =	sadd.s32 s2, s29  }
0x3d: {  	(v2sf) =	vpush v0, $0xB;
	[tilespmem:s15], [sflag:$0x1] =	stream.linear.gather [hbm4b:s29+s3], $0x80, $0x38;
	[tilespmem:$0x10200] =	vst v63  }
0x3e: {  	s29 =	spop (v2sf)  }
0x3f: {  	s29 =	sand.u32 $0x1FFFFFF0, s29  }
0x40: {  	(v2sf) =	vpush v0, $0xC;
	s29 =	sadd.s32 s2, s29  }
0x41: {  	[tilespmem:s16], [sflag:$0x1] =	stream.linear.gather [hbm4b:s29+s3], $0x80, $0x38;
	[tilespmem:$0x10200] =	vst v63  }
0x42: {  	s29 =	spop (v2sf)  }
0x43: {  	s29 =	sand.u32 $0x1FFFFFF0, s29  }
0x44: {  	s29 =	sadd.s32 s2, s29  }
0x45: {  	(v2sf) =	vpush v0, $0xD;
	[tilespmem:s17], [sflag:$0x1] =	stream.linear.gather [hbm4b:s29+s3], $0x80, $0x38;
	[tilespmem:$0x10200] =	vst v63  }
0x46: {  	s29 =	spop (v2sf)  }
0x47: {  	(v2sf) =	vpush v0, $0xE;
	s29 =	sand.u32 $0x1FFFFFF0, s29  }
0x48: {  	s29 =	sadd.s32 s2, s29  }
0x49: {  	[tilespmem:s18], [sflag:$0x1] =	stream.linear.gather [hbm4b:s29+s3], $0x80, $0x38;
	[tilespmem:$0x10200] =	vst v63  }
0x4a: {  	s29 =	spop (v2sf)  }
0x4b: {  	s29 =	sand.u32 $0x1FFFFFF0, s29  }
0x4c: {  	(v2sf) =	vpush v0, $0xF;
	s30 =	spop (v2sf);
	s29 =	sadd.s32 s2, s29  }
0x4d: {  	[tilespmem:s19], [sflag:$0x1] =	stream.linear.gather [hbm4b:s29+s3], $0x80, $0x38;
	[tilespmem:$0x10200] =	vst v63  }
0x4e: {  	s29 =	sand.u32 $0x1FFFFFF0, s30  }
0x4f: {  	s30 =	spop (v2sf);
	s29 =	sadd.s32 s2, s29  }
0x50: {  	[tilespmem:s20], [sflag:$0x1] =	stream.linear.gather [hbm4b:s29+s3], $0x80, $0x38;
	[tilespmem:$0x10200] =	vst v63  }
0x51: {  	s29 =	sand.u32 $0x1FFFFFF0, s30  }
0x52: {  	s29 =	sadd.s32 s2, s29  }
0x53: {  	[tilespmem:s21], [sflag:$0x1] =	stream.linear.gather [hbm4b:s29+s3], $0x80, $0x38;
	[tilespmem:$0x10200] =	vst v63  }
0x54: {  	s30 =	spop (v2sf)  }
0x55: {  	s29 =	sand.u32 $0x1FFFFFF0, s30  }
0x56: {  	s29 =	sadd.s32 s2, s29;
	s30 =	spop (v2sf)  }
0x57: {  	[tilespmem:s22], [sflag:$0x1] =	stream.linear.gather [hbm4b:s29+s3], $0x80, $0x38;
	[tilespmem:$0x10200] =	vst v63  }
0x58: {  	s29 =	sand.u32 $0x1FFFFFF0, s30  }
0x59: {  	s29 =	sadd.s32 s2, s29  }
0x5a: {  	[tilespmem:s23], [sflag:$0x1] =	stream.linear.gather [hbm4b:s29+s3], $0x80, $0x38;
	[tilespmem:$0x10200] =	vst v63  }
.Ltmp2:
0x5b: {  	s29 =	spop (v2sf);
	(pc) =	sbr.rel .LBB2_2-.Ltmp2, $4  }
0x5c: {  	s29 =	sand.u32 $0x1FFFFFF0, s29  }
0x5d: {  	s29 =	sadd.s32 s2, s29  }
0x5e: {  	[tilespmem:s24], [sflag:$0x1] =	stream.linear.gather [hbm4b:s29+s3], $0x80, $0x38;
	[tilespmem:$0x10200] =	vst v63  }
0x5f: {  	s30 =	simm.s32 $0x0;
	s29 =	simm.s32 $0x20  }
.LBB2_4:
0x60: {  	_ =	swait.ge [sflag:s25], $0x80  }
0x61: {  	[sflag:s25] =	ssyncset.done $0x0  }
0x62: {  	[sflag:s25] =	ssyncadd.s32 $0xFFFFFF80  }
0x63: {  	_ =	swait.ge [sflag:s25], $0x80  }
0x64: {  	[sflag:s25] =	ssyncset.done $0x0  }
0x65: {  	[sflag:s25] =	ssyncadd.s32 $0xFFFFFF80  }
0x66: {  	_ =	swait.ge [sflag:s25], $0x80  }
0x67: {  	[sflag:s25] =	ssyncset.done $0x0  }
0x68: {  	[sflag:s25] =	ssyncadd.s32 $0xFFFFFF80  }
0x69: {  	_ =	swait.ge [sflag:s25], $0x80  }
0x6a: {  	[sflag:s25] =	ssyncset.done $0x0  }
0x6b: {  	[sflag:s25] =	ssyncadd.s32 $0xFFFFFF80  }
0x6c: {  	_ =	swait.ge [sflag:s25], $0x80  }
0x6d: {  	[sflag:s25] =	ssyncset.done $0x0  }
0x6e: {  	[sflag:s25] =	ssyncadd.s32 $0xFFFFFF80  }
0x6f: {  	_ =	swait.ge [sflag:s25], $0x80  }
0x70: {  	[sflag:s25] =	ssyncset.done $0x0  }
0x71: {  	[sflag:s25] =	ssyncadd.s32 $0xFFFFFF80  }
0x72: {  	_ =	swait.ge [sflag:s25], $0x80  }
0x73: {  	[sflag:s25] =	ssyncset.done $0x0  }
0x74: {  	[sflag:s25] =	ssyncadd.s32 $0xFFFFFF80  }
0x75: {  	_ =	swait.ge [sflag:s25], $0x80  }
0x76: {  	[sflag:s25] =	ssyncset.done $0x0  }
0x77: {  	[sflag:s25] =	ssyncadd.s32 $0xFFFFFF80  }
0x78: {  	_ =	swait.ge [sflag:s25], $0x80  }
0x79: {  	[sflag:s25] =	ssyncset.done $0x0  }
0x7a: {  	[sflag:s25] =	ssyncadd.s32 $0xFFFFFF80  }
0x7b: {  	_ =	swait.ge [sflag:s25], $0x80  }
0x7c: {  	[sflag:s25] =	ssyncset.done $0x0  }
0x7d: {  	[sflag:s25] =	ssyncadd.s32 $0xFFFFFF80  }
0x7e: {  	_ =	swait.ge [sflag:s25], $0x80  }
0x7f: {  	[sflag:s25] =	ssyncset.done $0x0  }
0x80: {  	[sflag:s25] =	ssyncadd.s32 $0xFFFFFF80  }
0x81: {  	_ =	swait.ge [sflag:s25], $0x80  }
0x82: {  	[sflag:s25] =	ssyncset.done $0x0  }
0x83: {  	[sflag:s25] =	ssyncadd.s32 $0xFFFFFF80  }
0x84: {  	_ =	swait.ge [sflag:s25], $0x80  }
0x85: {  	[sflag:s25] =	ssyncset.done $0x0  }
0x86: {  	[sflag:s25] =	ssyncadd.s32 $0xFFFFFF80  }
0x87: {  	_ =	swait.ge [sflag:s25], $0x80  }
0x88: {  	[sflag:s25] =	ssyncset.done $0x0  }
0x89: {  	s30 =	sadd.s32 $0x4000, s30;
	[sflag:s25] =	ssyncadd.s32 $0xFFFFFF80  }
0x8a: {  	p0 =	sne.s32 s30, $0x40000;
	_ =	swait.ge [sflag:s25], $0x80  }
.Ltmp3:
0x8b: {  	[sflag:s25] =	ssyncset.done $0x0;
	(pc) =	sbr.rel @!p0 .LBB2_5-.Ltmp3, $4  }
0x8c: {  	[sflag:s25] =	ssyncadd.s32 $0xFFFFFF80  }
0x8d: {  	_ =	swait.ge [sflag:s25], $0x80  }
0x8e: {  	[sflag:s25] =	ssyncset.done $0x0  }
0x8f: {  	s29 =	sadd.s32 $0x20, s29;
	[sflag:s25] =	ssyncadd.s32 $0xFFFFFF80  }
.LBB2_2:
0x90: {  	v0 =	vld [tilespmem:s29+$0xFFFFFFF0];
	_ =	sdelay $0x4  }
0x91: {  	v0 =	vshll.u32 v0, $0x4  }
0x92: {  	(v2sf) =	vpush v0, $0x0;
	_ =	sdelay $0x3  }
0x93: {  	(v2sf) =	vpush v0, $0x1;
	_ =	sdelay $0x3  }
0x94: {  	(v2sf) =	vpush v0, $0x2;
	_ =	sdelay $0x3  }
0x95: {  	(v2sf) =	vpush v0, $0x3;
	_ =	sdelay $0x2  }
0x96: {  	s0 =	spop (v2sf)  }
0x97: {  	s31 =	sshra.s32 s30, $0x2;
	(v2sf) =	vpush v0, $0x4;
	s0 =	sand.u32 $0x1FFFFFF0, s0  }
0x98: {  	s1 =	sadd.s32 $0xA00, s31;
	s0 =	sadd.s32 s2, s0  }
0x99: {  	[tilespmem:s1], [sflag:$0x2] =	stream.linear.gather [hbm4b:s0+s3], $0x80, $0x38;
	[tilespmem:$0x10200] =	vst v63  }
0x9a: {  	s1 =	spop (v2sf)  }
0x9b: {  	(v2sf) =	vpush v0, $0x5;
	s0 =	sand.u32 $0x1FFFFFF0, s1  }
0x9c: {  	s1 =	sadd.s32 $0xA80, s31;
	s0 =	sadd.s32 s2, s0  }
0x9d: {  	[tilespmem:s1], [sflag:$0x2] =	stream.linear.gather [hbm4b:s0+s3], $0x80, $0x38;
	[tilespmem:$0x10200] =	vst v63  }
0x9e: {  	s1 =	spop (v2sf)  }
0x9f: {  	(v2sf) =	vpush v0, $0x6;
	s0 =	sand.u32 $0x1FFFFFF0, s1  }
0xa0: {  	s1 =	sadd.s32 $0xB00, s31;
	s0 =	sadd.s32 s2, s0  }
0xa1: {  	[tilespmem:s1], [sflag:$0x2] =	stream.linear.gather [hbm4b:s0+s3], $0x80, $0x38;
	[tilespmem:$0x10200] =	vst v63  }
0xa2: {  	s1 =	spop (v2sf)  }
0xa3: {  	(v2sf) =	vpush v0, $0x7;
	s0 =	sand.u32 $0x1FFFFFF0, s1  }
0xa4: {  	s1 =	sadd.s32 $0xB80, s31;
	s0 =	sadd.s32 s2, s0  }
0xa5: {  	[tilespmem:s1], [sflag:$0x2] =	stream.linear.gather [hbm4b:s0+s3], $0x80, $0x38;
	[tilespmem:$0x10200] =	vst v63  }
0xa6: {  	s1 =	spop (v2sf)  }
0xa7: {  	(v2sf) =	vpush v0, $0x8;
	s0 =	sand.u32 $0x1FFFFFF0, s1  }
0xa8: {  	s1 =	sadd.s32 $0xC00, s31;
	s0 =	sadd.s32 s2, s0  }
0xa9: {  	[tilespmem:s1], [sflag:$0x2] =	stream.linear.gather [hbm4b:s0+s3], $0x80, $0x38;
	[tilespmem:$0x10200] =	vst v63  }
0xaa: {  	s1 =	spop (v2sf)  }
0xab: {  	(v2sf) =	vpush v0, $0x9;
	s0 =	sand.u32 $0x1FFFFFF0, s1  }
0xac: {  	s1 =	sadd.s32 $0xC80, s31;
	s0 =	sadd.s32 s2, s0  }
0xad: {  	[tilespmem:s1], [sflag:$0x2] =	stream.linear.gather [hbm4b:s0+s3], $0x80, $0x38;
	[tilespmem:$0x10200] =	vst v63  }
0xae: {  	s1 =	spop (v2sf)  }
0xaf: {  	(v2sf) =	vpush v0, $0xA;
	s0 =	sand.u32 $0x1FFFFFF0, s1  }
0xb0: {  	s1 =	sadd.s32 $0xD00, s31;
	s0 =	sadd.s32 s2, s0  }
0xb1: {  	[tilespmem:s1], [sflag:$0x2] =	stream.linear.gather [hbm4b:s0+s3], $0x80, $0x38;
	[tilespmem:$0x10200] =	vst v63  }
0xb2: {  	s1 =	spop (v2sf)  }
0xb3: {  	(v2sf) =	vpush v0, $0xB;
	s0 =	sand.u32 $0x1FFFFFF0, s1  }
0xb4: {  	s1 =	sadd.s32 $0xD80, s31;
	s0 =	sadd.s32 s2, s0  }
0xb5: {  	[tilespmem:s1], [sflag:$0x2] =	stream.linear.gather [hbm4b:s0+s3], $0x80, $0x38;
	[tilespmem:$0x10200] =	vst v63  }
0xb6: {  	s1 =	spop (v2sf)  }
0xb7: {  	(v2sf) =	vpush v0, $0xC;
	s0 =	sand.u32 $0x1FFFFFF0, s1  }
0xb8: {  	s1 =	sadd.s32 $0xE00, s31;
	s0 =	sadd.s32 s2, s0  }
0xb9: {  	[tilespmem:s1], [sflag:$0x2] =	stream.linear.gather [hbm4b:s0+s3], $0x80, $0x38;
	[tilespmem:$0x10200] =	vst v63  }
0xba: {  	s1 =	spop (v2sf)  }
0xbb: {  	(v2sf) =	vpush v0, $0xD;
	s0 =	sand.u32 $0x1FFFFFF0, s1  }
0xbc: {  	s1 =	sadd.s32 $0xE80, s31;
	s0 =	sadd.s32 s2, s0  }
0xbd: {  	[tilespmem:s1], [sflag:$0x2] =	stream.linear.gather [hbm4b:s0+s3], $0x80, $0x38;
	[tilespmem:$0x10200] =	vst v63  }
0xbe: {  	s1 =	spop (v2sf)  }
0xbf: {  	(v2sf) =	vpush v0, $0xE;
	s0 =	sand.u32 $0x1FFFFFF0, s1  }
0xc0: {  	s1 =	sadd.s32 $0xF00, s31;
	s0 =	sadd.s32 s2, s0  }
0xc1: {  	[tilespmem:s1], [sflag:$0x2] =	stream.linear.gather [hbm4b:s0+s3], $0x80, $0x38;
	[tilespmem:$0x10200] =	vst v63  }
0xc2: {  	s1 =	spop (v2sf)  }
0xc3: {  	(v2sf) =	vpush v0, $0xF;
	s0 =	sand.u32 $0x1FFFFFF0, s1  }
0xc4: {  	s1 =	sadd.s32 $0xF80, s31;
	s0 =	sadd.s32 s2, s0  }
0xc5: {  	[tilespmem:s1], [sflag:$0x2] =	stream.linear.gather [hbm4b:s0+s3], $0x80, $0x38;
	[tilespmem:$0x10200] =	vst v63  }
0xc6: {  	s1 =	spop (v2sf)  }
0xc7: {  	s0 =	sand.u32 $0x1FFFFFF0, s1  }
0xc8: {  	s1 =	sadd.s32 $0x1000, s31;
	s0 =	sadd.s32 s2, s0  }
0xc9: {  	[tilespmem:s1], [sflag:$0x2] =	stream.linear.gather [hbm4b:s0+s3], $0x80, $0x38;
	[tilespmem:$0x10200] =	vst v63  }
0xca: {  	s1 =	spop (v2sf)  }
0xcb: {  	s0 =	sand.u32 $0x1FFFFFF0, s1  }
0xcc: {  	s1 =	sadd.s32 $0x1080, s31;
	s0 =	sadd.s32 s2, s0  }
0xcd: {  	[tilespmem:s1], [sflag:$0x2] =	stream.linear.gather [hbm4b:s0+s3], $0x80, $0x38;
	[tilespmem:$0x10200] =	vst v63  }
0xce: {  	s1 =	spop (v2sf)  }
0xcf: {  	s0 =	sand.u32 $0x1FFFFFF0, s1  }
0xd0: {  	s1 =	sadd.s32 $0x1100, s31;
	s0 =	sadd.s32 s2, s0  }
0xd1: {  	[tilespmem:s1], [sflag:$0x2] =	stream.linear.gather [hbm4b:s0+s3], $0x80, $0x38;
	[tilespmem:$0x10200] =	vst v63  }
0xd2: {  	s1 =	spop (v2sf)  }
0xd3: {  	s0 =	sand.u32 $0x1FFFFFF0, s1  }
0xd4: {  	s1 =	sadd.s32 $0x1180, s31;
	s0 =	sadd.s32 s2, s0  }
0xd5: {  	[tilespmem:s1], [sflag:$0x2] =	stream.linear.gather [hbm4b:s0+s3], $0x80, $0x38;
	[tilespmem:$0x10200] =	vst v63  }
0xd6: {  	_ =	swait.ge [sflag:s9], $0x80  }
0xd7: {  	[sflag:s9] =	ssyncset.done $0x0  }
0xd8: {  	[sflag:s9] =	ssyncadd.s32 $0xFFFFFF80  }
0xd9: {  	_ =	swait.ge [sflag:s9], $0x80  }
0xda: {  	[sflag:s9] =	ssyncset.done $0x0  }
0xdb: {  	[sflag:s9] =	ssyncadd.s32 $0xFFFFFF80  }
0xdc: {  	_ =	swait.ge [sflag:s9], $0x80  }
0xdd: {  	[sflag:s9] =	ssyncset.done $0x0  }
0xde: {  	[sflag:s9] =	ssyncadd.s32 $0xFFFFFF80  }
0xdf: {  	_ =	swait.ge [sflag:s9], $0x80  }
0xe0: {  	[sflag:s9] =	ssyncset.done $0x0  }
0xe1: {  	[sflag:s9] =	ssyncadd.s32 $0xFFFFFF80  }
0xe2: {  	_ =	swait.ge [sflag:s9], $0x80  }
0xe3: {  	[sflag:s9] =	ssyncset.done $0x0  }
0xe4: {  	[sflag:s9] =	ssyncadd.s32 $0xFFFFFF80  }
0xe5: {  	_ =	swait.ge [sflag:s9], $0x80  }
0xe6: {  	[sflag:s9] =	ssyncset.done $0x0  }
0xe7: {  	[sflag:s9] =	ssyncadd.s32 $0xFFFFFF80  }
0xe8: {  	_ =	swait.ge [sflag:s9], $0x80  }
0xe9: {  	[sflag:s9] =	ssyncset.done $0x0  }
0xea: {  	[sflag:s9] =	ssyncadd.s32 $0xFFFFFF80  }
0xeb: {  	_ =	swait.ge [sflag:s9], $0x80  }
0xec: {  	[sflag:s9] =	ssyncset.done $0x0  }
0xed: {  	[sflag:s9] =	ssyncadd.s32 $0xFFFFFF80  }
0xee: {  	_ =	swait.ge [sflag:s9], $0x80  }
0xef: {  	[sflag:s9] =	ssyncset.done $0x0  }
0xf0: {  	[sflag:s9] =	ssyncadd.s32 $0xFFFFFF80  }
0xf1: {  	_ =	swait.ge [sflag:s9], $0x80  }
0xf2: {  	[sflag:s9] =	ssyncset.done $0x0  }
0xf3: {  	[sflag:s9] =	ssyncadd.s32 $0xFFFFFF80  }
0xf4: {  	_ =	swait.ge [sflag:s9], $0x80  }
0xf5: {  	[sflag:s9] =	ssyncset.done $0x0  }
0xf6: {  	[sflag:s9] =	ssyncadd.s32 $0xFFFFFF80  }
0xf7: {  	_ =	swait.ge [sflag:s9], $0x80  }
0xf8: {  	[sflag:s9] =	ssyncset.done $0x0  }
0xf9: {  	[sflag:s9] =	ssyncadd.s32 $0xFFFFFF80  }
0xfa: {  	_ =	swait.ge [sflag:s9], $0x80  }
0xfb: {  	[sflag:s9] =	ssyncset.done $0x0  }
0xfc: {  	[sflag:s9] =	ssyncadd.s32 $0xFFFFFF80  }
0xfd: {  	_ =	swait.ge [sflag:s9], $0x80  }
0xfe: {  	[sflag:s9] =	ssyncset.done $0x0  }
0xff: {  	[sflag:s9] =	ssyncadd.s32 $0xFFFFFF80  }
0x100: {  	p0 =	seq.s32 s30, $0x3C000;
	_ =	swait.ge [sflag:s9], $0x80  }
.Ltmp4:
0x101: {  	[sflag:s9] =	ssyncset.done $0x0;
	(pc) =	sbr.rel @p0 .LBB2_4-.Ltmp4, $4  }
0x102: {  	[sflag:s9] =	ssyncadd.s32 $0xFFFFFF80  }
0x103: {  	_ =	swait.ge [sflag:s9], $0x80  }
0x104: {  	[sflag:s9] =	ssyncset.done $0x0  }
0x105: {  	[sflag:s9] =	ssyncadd.s32 $0xFFFFFF80  }
0x106: {  	v0 =	vld [tilespmem:s29+$0x0];
	_ =	sdelay $0x4  }
0x107: {  	v0 =	vshll.u32 v0, $0x4  }
0x108: {  	(v2sf) =	vpush v0, $0x0;
	_ =	sdelay $0x3  }
0x109: {  	(v2sf) =	vpush v0, $0x1;
	_ =	sdelay $0x3  }
0x10a: {  	(v2sf) =	vpush v0, $0x2;
	_ =	sdelay $0x3  }
0x10b: {  	(v2sf) =	vpush v0, $0x3;
	_ =	sdelay $0x2  }
0x10c: {  	s0 =	spop (v2sf)  }
0x10d: {  	(v2sf) =	vpush v0, $0x4;
	s0 =	sand.u32 $0x1FFFFFF0, s0  }
0x10e: {  	s1 =	sadd.s32 $0x1200, s31;
	s0 =	sadd.s32 s2, s0  }
0x10f: {  	[tilespmem:s1], [sflag:$0x1] =	stream.linear.gather [hbm4b:s0+s3], $0x80, $0x38;
	[tilespmem:$0x10200] =	vst v63  }
0x110: {  	s1 =	spop (v2sf)  }
0x111: {  	(v2sf) =	vpush v0, $0x5;
	s0 =	sand.u32 $0x1FFFFFF0, s1  }
0x112: {  	s1 =	sadd.s32 $0x1280, s31;
	s0 =	sadd.s32 s2, s0  }
0x113: {  	[tilespmem:s1], [sflag:$0x1] =	stream.linear.gather [hbm4b:s0+s3], $0x80, $0x38;
	[tilespmem:$0x10200] =	vst v63  }
0x114: {  	s1 =	spop (v2sf)  }
0x115: {  	(v2sf) =	vpush v0, $0x6;
	s0 =	sand.u32 $0x1FFFFFF0, s1  }
0x116: {  	s1 =	sadd.s32 $0x1300, s31;
	s0 =	sadd.s32 s2, s0  }
0x117: {  	[tilespmem:s1], [sflag:$0x1] =	stream.linear.gather [hbm4b:s0+s3], $0x80, $0x38;
	[tilespmem:$0x10200] =	vst v63  }
0x118: {  	s1 =	spop (v2sf)  }
0x119: {  	(v2sf) =	vpush v0, $0x7;
	s0 =	sand.u32 $0x1FFFFFF0, s1  }
0x11a: {  	s1 =	sadd.s32 $0x1380, s31;
	s0 =	sadd.s32 s2, s0  }
0x11b: {  	[tilespmem:s1], [sflag:$0x1] =	stream.linear.gather [hbm4b:s0+s3], $0x80, $0x38;
	[tilespmem:$0x10200] =	vst v63  }
0x11c: {  	s1 =	spop (v2sf)  }
0x11d: {  	(v2sf) =	vpush v0, $0x8;
	s0 =	sand.u32 $0x1FFFFFF0, s1  }
0x11e: {  	s1 =	sadd.s32 $0x1400, s31;
	s0 =	sadd.s32 s2, s0  }
0x11f: {  	[tilespmem:s1], [sflag:$0x1] =	stream.linear.gather [hbm4b:s0+s3], $0x80, $0x38;
	[tilespmem:$0x10200] =	vst v63  }
0x120: {  	s1 =	spop (v2sf)  }
0x121: {  	(v2sf) =	vpush v0, $0x9;
	s0 =	sand.u32 $0x1FFFFFF0, s1  }
0x122: {  	s1 =	sadd.s32 $0x1480, s31;
	s0 =	sadd.s32 s2, s0  }
0x123: {  	[tilespmem:s1], [sflag:$0x1] =	stream.linear.gather [hbm4b:s0+s3], $0x80, $0x38;
	[tilespmem:$0x10200] =	vst v63  }
0x124: {  	s1 =	spop (v2sf)  }
0x125: {  	(v2sf) =	vpush v0, $0xA;
	s0 =	sand.u32 $0x1FFFFFF0, s1  }
0x126: {  	s1 =	sadd.s32 $0x1500, s31;
	s0 =	sadd.s32 s2, s0  }
0x127: {  	[tilespmem:s1], [sflag:$0x1] =	stream.linear.gather [hbm4b:s0+s3], $0x80, $0x38;
	[tilespmem:$0x10200] =	vst v63  }
0x128: {  	s1 =	spop (v2sf)  }
0x129: {  	(v2sf) =	vpush v0, $0xB;
	s0 =	sand.u32 $0x1FFFFFF0, s1  }
0x12a: {  	s1 =	sadd.s32 $0x1580, s31;
	s0 =	sadd.s32 s2, s0  }
0x12b: {  	[tilespmem:s1], [sflag:$0x1] =	stream.linear.gather [hbm4b:s0+s3], $0x80, $0x38;
	[tilespmem:$0x10200] =	vst v63  }
0x12c: {  	s1 =	spop (v2sf)  }
0x12d: {  	(v2sf) =	vpush v0, $0xC;
	s0 =	sand.u32 $0x1FFFFFF0, s1  }
0x12e: {  	s1 =	sadd.s32 $0x1600, s31;
	s0 =	sadd.s32 s2, s0  }
0x12f: {  	[tilespmem:s1], [sflag:$0x1] =	stream.linear.gather [hbm4b:s0+s3], $0x80, $0x38;
	[tilespmem:$0x10200] =	vst v63  }
0x130: {  	s1 =	spop (v2sf)  }
0x131: {  	(v2sf) =	vpush v0, $0xD;
	s0 =	sand.u32 $0x1FFFFFF0, s1  }
0x132: {  	s1 =	sadd.s32 $0x1680, s31;
	s0 =	sadd.s32 s2, s0  }
0x133: {  	[tilespmem:s1], [sflag:$0x1] =	stream.linear.gather [hbm4b:s0+s3], $0x80, $0x38;
	[tilespmem:$0x10200] =	vst v63  }
0x134: {  	s1 =	spop (v2sf)  }
0x135: {  	(v2sf) =	vpush v0, $0xE;
	s0 =	sand.u32 $0x1FFFFFF0, s1  }
0x136: {  	s1 =	sadd.s32 $0x1700, s31;
	s0 =	sadd.s32 s2, s0  }
0x137: {  	[tilespmem:s1], [sflag:$0x1] =	stream.linear.gather [hbm4b:s0+s3], $0x80, $0x38;
	[tilespmem:$0x10200] =	vst v63  }
0x138: {  	s1 =	spop (v2sf)  }
0x139: {  	s0 =	sand.u32 $0x1FFFFFF0, s1  }
0x13a: {  	(v2sf) =	vpush v0, $0xF;
	s1 =	sadd.s32 $0x1780, s31;
	s0 =	sadd.s32 s2, s0  }
0x13b: {  	[tilespmem:s1], [sflag:$0x1] =	stream.linear.gather [hbm4b:s0+s3], $0x80, $0x38;
	[tilespmem:$0x10200] =	vst v63  }
0x13c: {  	s1 =	spop (v2sf)  }
0x13d: {  	s0 =	sand.u32 $0x1FFFFFF0, s1  }
0x13e: {  	s1 =	sadd.s32 $0x1800, s31;
	s0 =	sadd.s32 s2, s0  }
0x13f: {  	[tilespmem:s1], [sflag:$0x1] =	stream.linear.gather [hbm4b:s0+s3], $0x80, $0x38;
	[tilespmem:$0x10200] =	vst v63  }
0x140: {  	s1 =	spop (v2sf)  }
0x141: {  	s0 =	sand.u32 $0x1FFFFFF0, s1  }
0x142: {  	s1 =	sadd.s32 $0x1880, s31;
	s0 =	sadd.s32 s2, s0  }
0x143: {  	[tilespmem:s1], [sflag:$0x1] =	stream.linear.gather [hbm4b:s0+s3], $0x80, $0x38;
	[tilespmem:$0x10200] =	vst v63  }
0x144: {  	s1 =	spop (v2sf)  }
0x145: {  	s0 =	sand.u32 $0x1FFFFFF0, s1  }
0x146: {  	s1 =	sadd.s32 $0x1900, s31;
	s0 =	sadd.s32 s2, s0  }
0x147: {  	[tilespmem:s1], [sflag:$0x1] =	stream.linear.gather [hbm4b:s0+s3], $0x80, $0x38;
	[tilespmem:$0x10200] =	vst v63  }
.Ltmp5:
0x148: {  	_ = 	snop;
	(pc) =	sbr.rel .LBB2_4-.Ltmp5, $4  }
0x149: {  	s1 =	spop (v2sf)  }
0x14a: {  	s0 =	sand.u32 $0x1FFFFFF0, s1  }
0x14b: {  	s31 =	sadd.s32 $0x1980, s31;
	s0 =	sadd.s32 s2, s0  }
0x14c: {  	[tilespmem:s31], [sflag:$0x1] =	stream.linear.gather [hbm4b:s0+s3], $0x80, $0x38;
	[tilespmem:$0x10200] =	vst v63  }
.LBB2_6:
0x14d: {  	_ =	sfence.sel $0x180000  }
0x14e: {  	[bflag:$0x0] =	sbarrier.arrive $0xFFFF  }
0x14f: {  	_ =	strace $0x90000047  }
0x150: {  	s0 =	stileid.u32;
	[bflag:$0x2] =	sbarrier.arrive $0xFFFF  }
0x151: {  	p0 =	sne.s32 s0, $0x0;
	s0 =	rddreg [dreg:$0x2]  }
0x152: {  	s0 =	sadd.s32 @!p0 $0x100000, s0  }
0x153: {  	[sflag:s0] =	ssyncadd.tile.s32 @!p0 $0x1;
	_ =	shalt  }
.Lfunc_end2:
_tile_overlayer_lowered:
.L_overlay_start_2:
0x154: {  	(tag) =	ssettag $0x2  }
0x155: {  	s0 =	rddreg [dreg:$0x0];
	s2 =	stileid.u32  }
0x156: {  	s1 =	rddreg [dreg:$0x1];
	p0 =	sne.s32 s2, $0x0  }
0x157: {  	s3 =	rddreg [dreg:$0x2];
	[bflag:$0x3] =	sbarrier.arrive $0xFFFF;
	s2 =	simm.s32 @!p0 $0x1C03  }
0x158: {  	[timem:s3], [sflag:s2] =	dma.local @!p0 [hbm:s0], s1  }
0x159: {  	s0 =	simm.s32 @!p0 $0x3  }
0x15a: {  	_ =	swait.ge @!p0 [sflag:s0], s1  }
0x15b: {  	s1 =	ssub.s32 @!p0 $0x0, s1;
	[sflag:s0] =	ssyncset.done @!p0 $0x0  }
0x15c: {  	[sflag:s0] =	ssyncadd.s32 @!p0 s1  }
0x15d: {  	[bflag:$0x3] =	sbarrier.arrive $0xFFFF  }
0x15e: {  	_ =	shalt  }

</sc_bundles>
